<compile_context>
chip_gen: v7x
topology: tpu7x:2x2x1
jax: 0.10.2.dev20260603
libtpu: 0.0.44.dev20260713+nightly
codegen_flags: <defaults>
</compile_context>

<pallas_src>
import jax
import jax.numpy as jnp
from jax import lax
from jax.experimental import pallas as pl
from jax.experimental.pallas import tpu as pltpu
from jax.experimental.pallas import tpu_sc as plsc

N_COLS = 26
VOCAB = 100000
B = 16384
D = 16

_INFO = plsc.get_sparse_core_info()
NW = _INFO.num_cores * _INFO.num_subcores
F_ROWS = N_COLS * D
F_PER_W = F_ROWS // NW
BQ = B // 4
UNROLL = 8
XCHUNKS = (0, 12544, 25088, 37632, 50176, 62720, 75264, 87808, VOCAB)
NXC = len(XCHUNKS) - 1


def _body(tbl_hbm, idx_hbm, out_hbm, xrow, idxbuf, y0, y1, xsem, ysem0, ysem1):
    wid = lax.axis_index("s") * _INFO.num_cores + lax.axis_index("c")
    zeros16 = jnp.zeros((16,), jnp.int32)
    ybufs = (y0, y1)
    ysems = (ysem0, ysem1)

    def ywrite(f, q, start):
        cp = pltpu.make_async_copy(
            ybufs[q % 2], out_hbm.at[pl.ds(f, 1), pl.ds(q * BQ, BQ)],
            ysems[q % 2])
        if start:
            cp.start()
        else:
            cp.wait()

    def per_row(k, c_prev):
        f = wid * F_PER_W + k
        c = f // D

        copies = [
            pltpu.make_async_copy(
                tbl_hbm.at[pl.ds(f, 1), pl.ds(XCHUNKS[i], XCHUNKS[i + 1] - XCHUNKS[i])],
                xrow.at[:, pl.ds(XCHUNKS[i], XCHUNKS[i + 1] - XCHUNKS[i])],
                xsem,
            )
            for i in range(NXC)
        ]
        for cp in copies:
            cp.start()

        @pl.when(c != c_prev)
        def _():
            pltpu.sync_copy(idx_hbm.at[pl.ds(c, 1)], idxbuf)

        for cp in copies:
            cp.wait()

        for q in range(4):
            yq = ybufs[q % 2]
            if q >= 2:
                ywrite(f, q - 2, start=False)
            else:
                @pl.when(k > 0)
                def _():
                    ywrite(f - 1, q + 2, start=False)

            @plsc.parallel_loop(0, BQ // 16, unroll=UNROLL)
            def _(j, q=q, yq=yq):
                off = j * 16
                v = idxbuf[0, pl.ds(q * BQ + off, 16)]
                y = plsc.load_gather(xrow, [zeros16, v])
                yq[0, pl.ds(off, 16)] = y
            ywrite(f, q, start=True)
        return c

    lax.fori_loop(0, F_PER_W, per_row, -1)
    f_last = wid * F_PER_W + F_PER_W - 1
    ywrite(f_last, 2, start=False)
    ywrite(f_last, 3, start=False)


def kernel(indices, tables):
    tbl = tables.transpose(0, 2, 1).reshape(F_ROWS, VOCAB)

    grid_kernel = pl.kernel(
        _body,
        out_type=jax.ShapeDtypeStruct((F_ROWS, B), jnp.float32),
        mesh=plsc.VectorSubcoreMesh(core_axis_name="c", subcore_axis_name="s"),
        scratch_types=[
            pltpu.VMEM((1, VOCAB), jnp.float32),
            pltpu.VMEM((1, B), jnp.int32),
            pltpu.VMEM((1, BQ), jnp.float32),
            pltpu.VMEM((1, BQ), jnp.float32),
            pltpu.SemaphoreType.DMA,
            pltpu.SemaphoreType.DMA,
            pltpu.SemaphoreType.DMA,
        ],
        compiler_params=pltpu.CompilerParams(
            use_tc_tiling_on_sc=True, needs_layout_passes=False),
    )
    out = grid_kernel(tbl, indices)
    return out.T

# --- scband reference (transcript-rebuilt; emitter-appended) ---
"""Pipeline reference for scband-categorical-embedder-32822140076760 (READ-ONLY COPY).

The authoritative reference and input builder live on the scoring server;
editing this copy changes nothing except your own understanding.
"""

import jax, jax.numpy as jnp
import numpy as np

N_COLS = 26
VOCAB = 100000
B = 16384
D = 16


def setup_inputs(seed: int = 0) -> dict:
    key = jax.random.key(seed)
    k_idx, k_tab = jax.random.split(key)
    # 26 categorical columns, each [B] indices in [0, VOCAB)
    indices = jax.random.randint(k_idx, (N_COLS, B), 0, VOCAB, dtype=jnp.int32)
    # One embedding table per column (stacked), padding_idx=0 row zeroed,
    # matching nn.Embedding(padding_idx=0) initialization semantics.
    tables = jax.random.normal(k_tab, (N_COLS, VOCAB, D), dtype=jnp.float32)
    tables = tables.at[:, 0, :].set(0.0)
    return {"indices": indices, "tables": tables}


def reference(indices, tables):
    # Columns are iterated in sorted name order (col_00..col_25), which maps
    # to axis 0 of `indices`/`tables`. Each column does an embedding gather;
    # outputs are concatenated along the feature dim. Dropout p=0.0 -> identity.
    embs = []
    for c in range(N_COLS):
        embs.append(jnp.take(tables[c], indices[c], axis=0))  # [B, D]
    out = jnp.concatenate(embs, axis=-1)  # [B, N_COLS * D]
    return out

if __name__ == "__main__":
    import jax
    _d = setup_inputs()
    print(jax.jit(kernel)(*tuple(_d.values())))

</pallas_src>

<mosaic_0001>
#map = affine_map<(d0, d1) -> (0, 0)>
module attributes {stable_mosaic.version = 14 : i64} {
  func.func @_body(%arg0: i32, %arg1: i32, %arg2: memref<416x100000xf32, #tpu.memory_space<hbm>>, %arg3: memref<26x16384xi32, #tpu.memory_space<hbm>>, %arg4: memref<416x16384xf32, #tpu.memory_space<hbm>>, %arg5: memref<1x100000xf32, #tpu.memory_space<vmem>>, %arg6: memref<1x16384xi32, #tpu.memory_space<vmem>>, %arg7: memref<1x4096xf32, #tpu.memory_space<vmem>>, %arg8: memref<1x4096xf32, #tpu.memory_space<vmem>>, %arg9: memref<!tpu.dma_semaphore, #tpu.memory_space<semaphore_mem>>, %arg10: memref<!tpu.dma_semaphore, #tpu.memory_space<semaphore_mem>>, %arg11: memref<!tpu.dma_semaphore, #tpu.memory_space<semaphore_mem>>) attributes {dimension_semantics = [#tpu.dimension_semantics<core_parallel>, #tpu.dimension_semantics<subcore_parallel>], iteration_bounds = array<i64: 2, 16>, scalar_prefetch = 0 : i64, scratch_operands = 7 : i64, tpu.core_type = #tpu.core_type<sc_vector_subcore>, window_params = [{transform_indices = #map}, {transform_indices = #map}, {transform_indices = #map}]} {
    %mul3A = arith.constant 2 : i32
    %mul3A_0 = arith.muli %arg1, %mul3A : i32
    %add3A = arith.addi %mul3A_0, %arg0 : i32
    %broadcast_in_dim3A = arith.constant 0 : i32
    %broadcast_in_dim3A_1 = vector.broadcast %broadcast_in_dim3A : i32 to vector<16xi32>
    %scan3A = arith.constant -1 : i32
    %scan3A_2 = arith.constant 0 : i32
    %scan3A_3 = arith.constant 13 : i32
    %scan3A_4 = arith.addi %scan3A_2, %scan3A_3 : i32
    %scan3A_5 = arith.constant 1 : i32
    %scan3A_6 = scf.for %scan3A_20 = %scan3A_2 to %scan3A_4 step %scan3A_5 iter_args(%scan3A_21 = %scan3A) -> (i32)  : i32 {
      %mul3A_22 = arith.constant 13 : i32
      %mul3A_23 = arith.muli %add3A, %mul3A_22 : i32
      %add3A_24 = arith.addi %mul3A_23, %scan3A_20 : i32
      %jit3A = arith.constant 16 : i32
      %div3A = arith.divsi %add3A_24, %jit3A : i32
      %sign3A = arith.constant 0 : i32
      %sign3A_25 = arith.cmpi sgt, %add3A_24, %sign3A : i32
      %sign3A_26 = arith.extui %sign3A_25 : i1 to i32
      %sign3A_27 = arith.constant 0 : i32
      %sign3A_28 = arith.cmpi slt, %add3A_24, %sign3A_27 : i32
      %sign3A_29 = arith.extui %sign3A_28 : i1 to i32
      %sign3A_30 = arith.subi %sign3A_26, %sign3A_29 : i32
      %sign3A_31 = arith.constant 0 : i32
      %sign3A_32 = arith.cmpi sgt, %jit3A, %sign3A_31 : i32
      %sign3A_33 = arith.extui %sign3A_32 : i1 to i32
      %sign3A_34 = arith.constant 0 : i32
      %sign3A_35 = arith.cmpi slt, %jit3A, %sign3A_34 : i32
      %sign3A_36 = arith.extui %sign3A_35 : i1 to i32
      %sign3A_37 = arith.subi %sign3A_33, %sign3A_36 : i32
      %ne3A = arith.cmpi ne, %sign3A_30, %sign3A_37 : i32
      %rem3A = arith.remsi %add3A_24, %jit3A : i32
      %ne3A_38 = arith.constant 0 : i32
      %ne3A_39 = arith.cmpi ne, %rem3A, %ne3A_38 : i32
      %and3A = arith.andi %ne3A, %ne3A_39 : i1
      %sub3A_40 = arith.constant 1 : i32
      %sub3A_41 = arith.subi %div3A, %sub3A_40 : i32
      %select_n3A = arith.select %and3A, %sub3A_41, %div3A : i32
      %dma_start3A = arith.constant 0 : i32
      %dma_start3A_42 = arith.constant 0 : i32
      %dma_start3A_43 = tpu.memref_slice %arg5[%dma_start3A, %dma_start3A_42] : memref<1x100000xf32, #tpu.memory_space<vmem>> -> memref<1x12544xf32, #tpu.memory_space<vmem>>
      %dma_start3A_44 = arith.constant 0 : i32
      %dma_start3A_45 = tpu.memref_slice %arg2[%add3A_24, %dma_start3A_44] : memref<416x100000xf32, #tpu.memory_space<hbm>> -> memref<1x12544xf32, #tpu.memory_space<hbm>>
      %dma_start3A_46 = arith.constant 0 : i32
      %dma_start3A_47 = arith.constant 0 : i32
      %dma_start3A_48 = tpu.memref_slice %arg5[%dma_start3A_46, %dma_start3A_47] : memref<1x100000xf32, #tpu.memory_space<vmem>> -> memref<1x12544xf32, #tpu.memory_space<vmem>>
      %dma_start3A_49 = arith.constant 0 : i32
      %dma_start3A_50 = tpu.memref_slice %arg2[%add3A_24, %dma_start3A_49] : memref<416x100000xf32, #tpu.memory_space<hbm>> -> memref<1x12544xf32, #tpu.memory_space<hbm>>
      tpu.enqueue_dma source(%dma_start3A_50 : memref<1x12544xf32, #tpu.memory_space<hbm>>) target(%dma_start3A_48 : memref<1x12544xf32, #tpu.memory_space<vmem>>) target_semaphore(%arg9 : memref<!tpu.dma_semaphore, #tpu.memory_space<semaphore_mem>>)
      %dma_start3A_51 = arith.constant 0 : i32
      %dma_start3A_52 = arith.constant 12544 : i32
      %dma_start3A_53 = tpu.memref_slice %arg5[%dma_start3A_51, %dma_start3A_52] : memref<1x100000xf32, #tpu.memory_space<vmem>> -> memref<1x12544xf32, #tpu.memory_space<vmem>>
      %dma_start3A_54 = arith.constant 12544 : i32
      %dma_start3A_55 = tpu.memref_slice %arg2[%add3A_24, %dma_start3A_54] : memref<416x100000xf32, #tpu.memory_space<hbm>> -> memref<1x12544xf32, #tpu.memory_space<hbm>>
      %dma_start3A_56 = arith.constant 0 : i32
      %dma_start3A_57 = arith.constant 12544 : i32
      %dma_start3A_58 = tpu.memref_slice %arg5[%dma_start3A_56, %dma_start3A_57] : memref<1x100000xf32, #tpu.memory_space<vmem>> -> memref<1x12544xf32, #tpu.memory_space<vmem>>
      %dma_start3A_59 = arith.constant 12544 : i32
      %dma_start3A_60 = tpu.memref_slice %arg2[%add3A_24, %dma_start3A_59] : memref<416x100000xf32, #tpu.memory_space<hbm>> -> memref<1x12544xf32, #tpu.memory_space<hbm>>
      tpu.enqueue_dma source(%dma_start3A_60 : memref<1x12544xf32, #tpu.memory_space<hbm>>) target(%dma_start3A_58 : memref<1x12544xf32, #tpu.memory_space<vmem>>) target_semaphore(%arg9 : memref<!tpu.dma_semaphore, #tpu.memory_space<semaphore_mem>>)
      %dma_start3A_61 = arith.constant 0 : i32
      %dma_start3A_62 = arith.constant 25088 : i32
      %dma_start3A_63 = tpu.memref_slice %arg5[%dma_start3A_61, %dma_start3A_62] : memref<1x100000xf32, #tpu.memory_space<vmem>> -> memref<1x12544xf32, #tpu.memory_space<vmem>>
      %dma_start3A_64 = arith.constant 25088 : i32
      %dma_start3A_65 = tpu.memref_slice %arg2[%add3A_24, %dma_start3A_64] : memref<416x100000xf32, #tpu.memory_space<hbm>> -> memref<1x12544xf32, #tpu.memory_space<hbm>>
      %dma_start3A_66 = arith.constant 0 : i32
      %dma_start3A_67 = arith.constant 25088 : i32
      %dma_start3A_68 = tpu.memref_slice %arg5[%dma_start3A_66, %dma_start3A_67] : memref<1x100000xf32, #tpu.memory_space<vmem>> -> memref<1x12544xf32, #tpu.memory_space<vmem>>
      %dma_start3A_69 = arith.constant 25088 : i32
      %dma_start3A_70 = tpu.memref_slice %arg2[%add3A_24, %dma_start3A_69] : memref<416x100000xf32, #tpu.memory_space<hbm>> -> memref<1x12544xf32, #tpu.memory_space<hbm>>
      tpu.enqueue_dma source(%dma_start3A_70 : memref<1x12544xf32, #tpu.memory_space<hbm>>) target(%dma_start3A_68 : memref<1x12544xf32, #tpu.memory_space<vmem>>) target_semaphore(%arg9 : memref<!tpu.dma_semaphore, #tpu.memory_space<semaphore_mem>>)
      %dma_start3A_71 = arith.constant 0 : i32
      %dma_start3A_72 = arith.constant 37632 : i32
      %dma_start3A_73 = tpu.memref_slice %arg5[%dma_start3A_71, %dma_start3A_72] : memref<1x100000xf32, #tpu.memory_space<vmem>> -> memref<1x12544xf32, #tpu.memory_space<vmem>>
      %dma_start3A_74 = arith.constant 37632 : i32
      %dma_start3A_75 = tpu.memref_slice %arg2[%add3A_24, %dma_start3A_74] : memref<416x100000xf32, #tpu.memory_space<hbm>> -> memref<1x12544xf32, #tpu.memory_space<hbm>>
      %dma_start3A_76 = arith.constant 0 : i32
      %dma_start3A_77 = arith.constant 37632 : i32
      %dma_start3A_78 = tpu.memref_slice %arg5[%dma_start3A_76, %dma_start3A_77] : memref<1x100000xf32, #tpu.memory_space<vmem>> -> memref<1x12544xf32, #tpu.memory_space<vmem>>
      %dma_start3A_79 = arith.constant 37632 : i32
      %dma_start3A_80 = tpu.memref_slice %arg2[%add3A_24, %dma_start3A_79] : memref<416x100000xf32, #tpu.memory_space<hbm>> -> memref<1x12544xf32, #tpu.memory_space<hbm>>
      tpu.enqueue_dma source(%dma_start3A_80 : memref<1x12544xf32, #tpu.memory_space<hbm>>) target(%dma_start3A_78 : memref<1x12544xf32, #tpu.memory_space<vmem>>) target_semaphore(%arg9 : memref<!tpu.dma_semaphore, #tpu.memory_space<semaphore_mem>>)
      %dma_start3A_81 = arith.constant 0 : i32
      %dma_start3A_82 = arith.constant 50176 : i32
      %dma_start3A_83 = tpu.memref_slice %arg5[%dma_start3A_81, %dma_start3A_82] : memref<1x100000xf32, #tpu.memory_space<vmem>> -> memref<1x12544xf32, #tpu.memory_space<vmem>>
      %dma_start3A_84 = arith.constant 50176 : i32
      %dma_start3A_85 = tpu.memref_slice %arg2[%add3A_24, %dma_start3A_84] : memref<416x100000xf32, #tpu.memory_space<hbm>> -> memref<1x12544xf32, #tpu.memory_space<hbm>>
      %dma_start3A_86 = arith.constant 0 : i32
      %dma_start3A_87 = arith.constant 50176 : i32
      %dma_start3A_88 = tpu.memref_slice %arg5[%dma_start3A_86, %dma_start3A_87] : memref<1x100000xf32, #tpu.memory_space<vmem>> -> memref<1x12544xf32, #tpu.memory_space<vmem>>
      %dma_start3A_89 = arith.constant 50176 : i32
      %dma_start3A_90 = tpu.memref_slice %arg2[%add3A_24, %dma_start3A_89] : memref<416x100000xf32, #tpu.memory_space<hbm>> -> memref<1x12544xf32, #tpu.memory_space<hbm>>
      tpu.enqueue_dma source(%dma_start3A_90 : memref<1x12544xf32, #tpu.memory_space<hbm>>) target(%dma_start3A_88 : memref<1x12544xf32, #tpu.memory_space<vmem>>) target_semaphore(%arg9 : memref<!tpu.dma_semaphore, #tpu.memory_space<semaphore_mem>>)
      %dma_start3A_91 = arith.constant 0 : i32
      %dma_start3A_92 = arith.constant 62720 : i32
      %dma_start3A_93 = tpu.memref_slice %arg5[%dma_start3A_91, %dma_start3A_92] : memref<1x100000xf32, #tpu.memory_space<vmem>> -> memref<1x12544xf32, #tpu.memory_space<vmem>>
      %dma_start3A_94 = arith.constant 62720 : i32
      %dma_start3A_95 = tpu.memref_slice %arg2[%add3A_24, %dma_start3A_94] : memref<416x100000xf32, #tpu.memory_space<hbm>> -> memref<1x12544xf32, #tpu.memory_space<hbm>>
      %dma_start3A_96 = arith.constant 0 : i32
      %dma_start3A_97 = arith.constant 62720 : i32
      %dma_start3A_98 = tpu.memref_slice %arg5[%dma_start3A_96, %dma_start3A_97] : memref<1x100000xf32, #tpu.memory_space<vmem>> -> memref<1x12544xf32, #tpu.memory_space<vmem>>
      %dma_start3A_99 = arith.constant 62720 : i32
      %dma_start3A_100 = tpu.memref_slice %arg2[%add3A_24, %dma_start3A_99] : memref<416x100000xf32, #tpu.memory_space<hbm>> -> memref<1x12544xf32, #tpu.memory_space<hbm>>
      tpu.enqueue_dma source(%dma_start3A_100 : memref<1x12544xf32, #tpu.memory_space<hbm>>) target(%dma_start3A_98 : memref<1x12544xf32, #tpu.memory_space<vmem>>) target_semaphore(%arg9 : memref<!tpu.dma_semaphore, #tpu.memory_space<semaphore_mem>>)
      %dma_start3A_101 = arith.constant 0 : i32
      %dma_start3A_102 = arith.constant 75264 : i32
      %dma_start3A_103 = tpu.memref_slice %arg5[%dma_start3A_101, %dma_start3A_102] : memref<1x100000xf32, #tpu.memory_space<vmem>> -> memref<1x12544xf32, #tpu.memory_space<vmem>>
      %dma_start3A_104 = arith.constant 75264 : i32
      %dma_start3A_105 = tpu.memref_slice %arg2[%add3A_24, %dma_start3A_104] : memref<416x100000xf32, #tpu.memory_space<hbm>> -> memref<1x12544xf32, #tpu.memory_space<hbm>>
      %dma_start3A_106 = arith.constant 0 : i32
      %dma_start3A_107 = arith.constant 75264 : i32
      %dma_start3A_108 = tpu.memref_slice %arg5[%dma_start3A_106, %dma_start3A_107] : memref<1x100000xf32, #tpu.memory_space<vmem>> -> memref<1x12544xf32, #tpu.memory_space<vmem>>
      %dma_start3A_109 = arith.constant 75264 : i32
      %dma_start3A_110 = tpu.memref_slice %arg2[%add3A_24, %dma_start3A_109] : memref<416x100000xf32, #tpu.memory_space<hbm>> -> memref<1x12544xf32, #tpu.memory_space<hbm>>
      tpu.enqueue_dma source(%dma_start3A_110 : memref<1x12544xf32, #tpu.memory_space<hbm>>) target(%dma_start3A_108 : memref<1x12544xf32, #tpu.memory_space<vmem>>) target_semaphore(%arg9 : memref<!tpu.dma_semaphore, #tpu.memory_space<semaphore_mem>>)
      %dma_start3A_111 = arith.constant 0 : i32
      %dma_start3A_112 = arith.constant 87808 : i32
      %dma_start3A_113 = tpu.memref_slice %arg5[%dma_start3A_111, %dma_start3A_112] : memref<1x100000xf32, #tpu.memory_space<vmem>> -> memref<1x12192xf32, #tpu.memory_space<vmem>>
      %dma_start3A_114 = arith.constant 87808 : i32
      %dma_start3A_115 = tpu.memref_slice %arg2[%add3A_24, %dma_start3A_114] : memref<416x100000xf32, #tpu.memory_space<hbm>> -> memref<1x12192xf32, #tpu.memory_space<hbm>>
      %dma_start3A_116 = arith.constant 0 : i32
      %dma_start3A_117 = arith.constant 87808 : i32
      %dma_start3A_118 = tpu.memref_slice %arg5[%dma_start3A_116, %dma_start3A_117] : memref<1x100000xf32, #tpu.memory_space<vmem>> -> memref<1x12192xf32, #tpu.memory_space<vmem>>
      %dma_start3A_119 = arith.constant 87808 : i32
      %dma_start3A_120 = tpu.memref_slice %arg2[%add3A_24, %dma_start3A_119] : memref<416x100000xf32, #tpu.memory_space<hbm>> -> memref<1x12192xf32, #tpu.memory_space<hbm>>
      tpu.enqueue_dma source(%dma_start3A_120 : memref<1x12192xf32, #tpu.memory_space<hbm>>) target(%dma_start3A_118 : memref<1x12192xf32, #tpu.memory_space<vmem>>) target_semaphore(%arg9 : memref<!tpu.dma_semaphore, #tpu.memory_space<semaphore_mem>>)
      %ne3A_121 = arith.cmpi ne, %select_n3A, %scan3A_21 : i32
      %convert_element_type3A = arith.extui %ne3A_121 : i1 to i32
      %cond3A = arith.constant 0 : i32
      %cond3A_122 = arith.cmpi ne, %convert_element_type3A, %cond3A : i32
      scf.if %cond3A_122 {
        "tpu.region"() ({
          %run_scoped3A = tpu.sem_alloc : memref<!tpu.dma_semaphore, #tpu.memory_space<semaphore_mem>>
          %dma_start3A_247 = arith.constant 0 : i32
          %dma_start3A_248 = tpu.memref_slice %arg3[%select_n3A, %dma_start3A_247] : memref<26x16384xi32, #tpu.memory_space<hbm>> -> memref<1x16384xi32, #tpu.memory_space<hbm>>
          %dma_start3A_249 = arith.constant 0 : i32
          %dma_start3A_250 = tpu.memref_slice %arg3[%select_n3A, %dma_start3A_249] : memref<26x16384xi32, #tpu.memory_space<hbm>> -> memref<1x16384xi32, #tpu.memory_space<hbm>>
          tpu.enqueue_dma source(%dma_start3A_250 : memref<1x16384xi32, #tpu.memory_space<hbm>>) target(%arg6 : memref<1x16384xi32, #tpu.memory_space<vmem>>) target_semaphore(%run_scoped3A : memref<!tpu.dma_semaphore, #tpu.memory_space<semaphore_mem>>)
          %dma_wait3A_251 = arith.constant 0 : i32
          %dma_wait3A_252 = tpu.memref_slice %arg3[%select_n3A, %dma_wait3A_251] : memref<26x16384xi32, #tpu.memory_space<hbm>> -> memref<1x16384xi32, #tpu.memory_space<hbm>>
          %dma_wait3A_253 = arith.constant 0 : i32
          %dma_wait3A_254 = tpu.memref_slice %arg3[%select_n3A, %dma_wait3A_253] : memref<26x16384xi32, #tpu.memory_space<hbm>> -> memref<1x16384xi32, #tpu.memory_space<hbm>>
          tpu.wait_dma2 semaphore(%run_scoped3A : memref<!tpu.dma_semaphore, #tpu.memory_space<semaphore_mem>>) src(%dma_wait3A_254 : memref<1x16384xi32, #tpu.memory_space<hbm>>) dst(%arg6 : memref<1x16384xi32, #tpu.memory_space<vmem>>)
          tpu.yield
        }) : () -> ()
      } else {
      }
      %dma_wait3A_123 = arith.constant 0 : i32
      %dma_wait3A_124 = arith.constant 0 : i32
      %dma_wait3A_125 = tpu.memref_slice %arg5[%dma_wait3A_123, %dma_wait3A_124] : memref<1x100000xf32, #tpu.memory_space<vmem>> -> memref<1x12544xf32, #tpu.memory_space<vmem>>
      %dma_wait3A_126 = arith.constant 0 : i32
      %dma_wait3A_127 = tpu.memref_slice %arg2[%add3A_24, %dma_wait3A_126] : memref<416x100000xf32, #tpu.memory_space<hbm>> -> memref<1x12544xf32, #tpu.memory_space<hbm>>
      %dma_wait3A_128 = arith.constant 0 : i32
      %dma_wait3A_129 = arith.constant 0 : i32
      %dma_wait3A_130 = tpu.memref_slice %arg5[%dma_wait3A_128, %dma_wait3A_129] : memref<1x100000xf32, #tpu.memory_space<vmem>> -> memref<1x12544xf32, #tpu.memory_space<vmem>>
      %dma_wait3A_131 = arith.constant 0 : i32
      %dma_wait3A_132 = tpu.memref_slice %arg2[%add3A_24, %dma_wait3A_131] : memref<416x100000xf32, #tpu.memory_space<hbm>> -> memref<1x12544xf32, #tpu.memory_space<hbm>>
      tpu.wait_dma2 semaphore(%arg9 : memref<!tpu.dma_semaphore, #tpu.memory_space<semaphore_mem>>) src(%dma_wait3A_132 : memref<1x12544xf32, #tpu.memory_space<hbm>>) dst(%dma_wait3A_130 : memref<1x12544xf32, #tpu.memory_space<vmem>>)
      %dma_wait3A_133 = arith.constant 0 : i32
      %dma_wait3A_134 = arith.constant 12544 : i32
      %dma_wait3A_135 = tpu.memref_slice %arg5[%dma_wait3A_133, %dma_wait3A_134] : memref<1x100000xf32, #tpu.memory_space<vmem>> -> memref<1x12544xf32, #tpu.memory_space<vmem>>
      %dma_wait3A_136 = arith.constant 12544 : i32
      %dma_wait3A_137 = tpu.memref_slice %arg2[%add3A_24, %dma_wait3A_136] : memref<416x100000xf32, #tpu.memory_space<hbm>> -> memref<1x12544xf32, #tpu.memory_space<hbm>>
      %dma_wait3A_138 = arith.constant 0 : i32
      %dma_wait3A_139 = arith.constant 12544 : i32
      %dma_wait3A_140 = tpu.memref_slice %arg5[%dma_wait3A_138, %dma_wait3A_139] : memref<1x100000xf32, #tpu.memory_space<vmem>> -> memref<1x12544xf32, #tpu.memory_space<vmem>>
      %dma_wait3A_141 = arith.constant 12544 : i32
      %dma_wait3A_142 = tpu.memref_slice %arg2[%add3A_24, %dma_wait3A_141] : memref<416x100000xf32, #tpu.memory_space<hbm>> -> memref<1x12544xf32, #tpu.memory_space<hbm>>
      tpu.wait_dma2 semaphore(%arg9 : memref<!tpu.dma_semaphore, #tpu.memory_space<semaphore_mem>>) src(%dma_wait3A_142 : memref<1x12544xf32, #tpu.memory_space<hbm>>) dst(%dma_wait3A_140 : memref<1x12544xf32, #tpu.memory_space<vmem>>)
      %dma_wait3A_143 = arith.constant 0 : i32
      %dma_wait3A_144 = arith.constant 25088 : i32
      %dma_wait3A_145 = tpu.memref_slice %arg5[%dma_wait3A_143, %dma_wait3A_144] : memref<1x100000xf32, #tpu.memory_space<vmem>> -> memref<1x12544xf32, #tpu.memory_space<vmem>>
      %dma_wait3A_146 = arith.constant 25088 : i32
      %dma_wait3A_147 = tpu.memref_slice %arg2[%add3A_24, %dma_wait3A_146] : memref<416x100000xf32, #tpu.memory_space<hbm>> -> memref<1x12544xf32, #tpu.memory_space<hbm>>
      %dma_wait3A_148 = arith.constant 0 : i32
      %dma_wait3A_149 = arith.constant 25088 : i32
      %dma_wait3A_150 = tpu.memref_slice %arg5[%dma_wait3A_148, %dma_wait3A_149] : memref<1x100000xf32, #tpu.memory_space<vmem>> -> memref<1x12544xf32, #tpu.memory_space<vmem>>
      %dma_wait3A_151 = arith.constant 25088 : i32
      %dma_wait3A_152 = tpu.memref_slice %arg2[%add3A_24, %dma_wait3A_151] : memref<416x100000xf32, #tpu.memory_space<hbm>> -> memref<1x12544xf32, #tpu.memory_space<hbm>>
      tpu.wait_dma2 semaphore(%arg9 : memref<!tpu.dma_semaphore, #tpu.memory_space<semaphore_mem>>) src(%dma_wait3A_152 : memref<1x12544xf32, #tpu.memory_space<hbm>>) dst(%dma_wait3A_150 : memref<1x12544xf32, #tpu.memory_space<vmem>>)
      %dma_wait3A_153 = arith.constant 0 : i32
      %dma_wait3A_154 = arith.constant 37632 : i32
      %dma_wait3A_155 = tpu.memref_slice %arg5[%dma_wait3A_153, %dma_wait3A_154] : memref<1x100000xf32, #tpu.memory_space<vmem>> -> memref<1x12544xf32, #tpu.memory_space<vmem>>
      %dma_wait3A_156 = arith.constant 37632 : i32
      %dma_wait3A_157 = tpu.memref_slice %arg2[%add3A_24, %dma_wait3A_156] : memref<416x100000xf32, #tpu.memory_space<hbm>> -> memref<1x12544xf32, #tpu.memory_space<hbm>>
      %dma_wait3A_158 = arith.constant 0 : i32
      %dma_wait3A_159 = arith.constant 37632 : i32
      %dma_wait3A_160 = tpu.memref_slice %arg5[%dma_wait3A_158, %dma_wait3A_159] : memref<1x100000xf32, #tpu.memory_space<vmem>> -> memref<1x12544xf32, #tpu.memory_space<vmem>>
      %dma_wait3A_161 = arith.constant 37632 : i32
      %dma_wait3A_162 = tpu.memref_slice %arg2[%add3A_24, %dma_wait3A_161] : memref<416x100000xf32, #tpu.memory_space<hbm>> -> memref<1x12544xf32, #tpu.memory_space<hbm>>
      tpu.wait_dma2 semaphore(%arg9 : memref<!tpu.dma_semaphore, #tpu.memory_space<semaphore_mem>>) src(%dma_wait3A_162 : memref<1x12544xf32, #tpu.memory_space<hbm>>) dst(%dma_wait3A_160 : memref<1x12544xf32, #tpu.memory_space<vmem>>)
      %dma_wait3A_163 = arith.constant 0 : i32
      %dma_wait3A_164 = arith.constant 50176 : i32
      %dma_wait3A_165 = tpu.memref_slice %arg5[%dma_wait3A_163, %dma_wait3A_164] : memref<1x100000xf32, #tpu.memory_space<vmem>> -> memref<1x12544xf32, #tpu.memory_space<vmem>>
      %dma_wait3A_166 = arith.constant 50176 : i32
      %dma_wait3A_167 = tpu.memref_slice %arg2[%add3A_24, %dma_wait3A_166] : memref<416x100000xf32, #tpu.memory_space<hbm>> -> memref<1x12544xf32, #tpu.memory_space<hbm>>
      %dma_wait3A_168 = arith.constant 0 : i32
      %dma_wait3A_169 = arith.constant 50176 : i32
      %dma_wait3A_170 = tpu.memref_slice %arg5[%dma_wait3A_168, %dma_wait3A_169] : memref<1x100000xf32, #tpu.memory_space<vmem>> -> memref<1x12544xf32, #tpu.memory_space<vmem>>
      %dma_wait3A_171 = arith.constant 50176 : i32
      %dma_wait3A_172 = tpu.memref_slice %arg2[%add3A_24, %dma_wait3A_171] : memref<416x100000xf32, #tpu.memory_space<hbm>> -> memref<1x12544xf32, #tpu.memory_space<hbm>>
      tpu.wait_dma2 semaphore(%arg9 : memref<!tpu.dma_semaphore, #tpu.memory_space<semaphore_mem>>) src(%dma_wait3A_172 : memref<1x12544xf32, #tpu.memory_space<hbm>>) dst(%dma_wait3A_170 : memref<1x12544xf32, #tpu.memory_space<vmem>>)
      %dma_wait3A_173 = arith.constant 0 : i32
      %dma_wait3A_174 = arith.constant 62720 : i32
      %dma_wait3A_175 = tpu.memref_slice %arg5[%dma_wait3A_173, %dma_wait3A_174] : memref<1x100000xf32, #tpu.memory_space<vmem>> -> memref<1x12544xf32, #tpu.memory_space<vmem>>
      %dma_wait3A_176 = arith.constant 62720 : i32
      %dma_wait3A_177 = tpu.memref_slice %arg2[%add3A_24, %dma_wait3A_176] : memref<416x100000xf32, #tpu.memory_space<hbm>> -> memref<1x12544xf32, #tpu.memory_space<hbm>>
      %dma_wait3A_178 = arith.constant 0 : i32
      %dma_wait3A_179 = arith.constant 62720 : i32
      %dma_wait3A_180 = tpu.memref_slice %arg5[%dma_wait3A_178, %dma_wait3A_179] : memref<1x100000xf32, #tpu.memory_space<vmem>> -> memref<1x12544xf32, #tpu.memory_space<vmem>>
      %dma_wait3A_181 = arith.constant 62720 : i32
      %dma_wait3A_182 = tpu.memref_slice %arg2[%add3A_24, %dma_wait3A_181] : memref<416x100000xf32, #tpu.memory_space<hbm>> -> memref<1x12544xf32, #tpu.memory_space<hbm>>
      tpu.wait_dma2 semaphore(%arg9 : memref<!tpu.dma_semaphore, #tpu.memory_space<semaphore_mem>>) src(%dma_wait3A_182 : memref<1x12544xf32, #tpu.memory_space<hbm>>) dst(%dma_wait3A_180 : memref<1x12544xf32, #tpu.memory_space<vmem>>)
      %dma_wait3A_183 = arith.constant 0 : i32
      %dma_wait3A_184 = arith.constant 75264 : i32
      %dma_wait3A_185 = tpu.memref_slice %arg5[%dma_wait3A_183, %dma_wait3A_184] : memref<1x100000xf32, #tpu.memory_space<vmem>> -> memref<1x12544xf32, #tpu.memory_space<vmem>>
      %dma_wait3A_186 = arith.constant 75264 : i32
      %dma_wait3A_187 = tpu.memref_slice %arg2[%add3A_24, %dma_wait3A_186] : memref<416x100000xf32, #tpu.memory_space<hbm>> -> memref<1x12544xf32, #tpu.memory_space<hbm>>
      %dma_wait3A_188 = arith.constant 0 : i32
      %dma_wait3A_189 = arith.constant 75264 : i32
      %dma_wait3A_190 = tpu.memref_slice %arg5[%dma_wait3A_188, %dma_wait3A_189] : memref<1x100000xf32, #tpu.memory_space<vmem>> -> memref<1x12544xf32, #tpu.memory_space<vmem>>
      %dma_wait3A_191 = arith.constant 75264 : i32
      %dma_wait3A_192 = tpu.memref_slice %arg2[%add3A_24, %dma_wait3A_191] : memref<416x100000xf32, #tpu.memory_space<hbm>> -> memref<1x12544xf32, #tpu.memory_space<hbm>>
      tpu.wait_dma2 semaphore(%arg9 : memref<!tpu.dma_semaphore, #tpu.memory_space<semaphore_mem>>) src(%dma_wait3A_192 : memref<1x12544xf32, #tpu.memory_space<hbm>>) dst(%dma_wait3A_190 : memref<1x12544xf32, #tpu.memory_space<vmem>>)
      %dma_wait3A_193 = arith.constant 0 : i32
      %dma_wait3A_194 = arith.constant 87808 : i32
      %dma_wait3A_195 = tpu.memref_slice %arg5[%dma_wait3A_193, %dma_wait3A_194] : memref<1x100000xf32, #tpu.memory_space<vmem>> -> memref<1x12192xf32, #tpu.memory_space<vmem>>
      %dma_wait3A_196 = arith.constant 87808 : i32
      %dma_wait3A_197 = tpu.memref_slice %arg2[%add3A_24, %dma_wait3A_196] : memref<416x100000xf32, #tpu.memory_space<hbm>> -> memref<1x12192xf32, #tpu.memory_space<hbm>>
      %dma_wait3A_198 = arith.constant 0 : i32
      %dma_wait3A_199 = arith.constant 87808 : i32
      %dma_wait3A_200 = tpu.memref_slice %arg5[%dma_wait3A_198, %dma_wait3A_199] : memref<1x100000xf32, #tpu.memory_space<vmem>> -> memref<1x12192xf32, #tpu.memory_space<vmem>>
      %dma_wait3A_201 = arith.constant 87808 : i32
      %dma_wait3A_202 = tpu.memref_slice %arg2[%add3A_24, %dma_wait3A_201] : memref<416x100000xf32, #tpu.memory_space<hbm>> -> memref<1x12192xf32, #tpu.memory_space<hbm>>
      tpu.wait_dma2 semaphore(%arg9 : memref<!tpu.dma_semaphore, #tpu.memory_space<semaphore_mem>>) src(%dma_wait3A_202 : memref<1x12192xf32, #tpu.memory_space<hbm>>) dst(%dma_wait3A_200 : memref<1x12192xf32, #tpu.memory_space<vmem>>)
      %gt3A = arith.constant 0 : i32
      %gt3A_203 = arith.cmpi sgt, %scan3A_20, %gt3A : i32
      %convert_element_type3A_204 = arith.extui %gt3A_203 : i1 to i32
      %cond3A_205 = arith.constant 0 : i32
      %cond3A_206 = arith.cmpi ne, %convert_element_type3A_204, %cond3A_205 : i32
      scf.if %cond3A_206 {
        %sub3A_247 = arith.constant 1 : i32
        %sub3A_248 = arith.subi %add3A_24, %sub3A_247 : i32
        %dma_wait3A_249 = arith.constant 8192 : i32
        %dma_wait3A_250 = tpu.memref_slice %arg4[%sub3A_248, %dma_wait3A_249] : memref<416x16384xf32, #tpu.memory_space<hbm>> -> memref<1x4096xf32, #tpu.memory_space<hbm>>
        %dma_wait3A_251 = arith.constant 8192 : i32
        %dma_wait3A_252 = tpu.memref_slice %arg4[%sub3A_248, %dma_wait3A_251] : memref<416x16384xf32, #tpu.memory_space<hbm>> -> memref<1x4096xf32, #tpu.memory_space<hbm>>
        tpu.wait_dma2 semaphore(%arg10 : memref<!tpu.dma_semaphore, #tpu.memory_space<semaphore_mem>>) src(%arg7 : memref<1x4096xf32, #tpu.memory_space<vmem>>) dst(%dma_wait3A_252 : memref<1x4096xf32, #tpu.memory_space<hbm>>)
      } else {
      }
      %parallel_loop3A = arith.constant 0 : i32
      %parallel_loop3A_207 = arith.constant 256 : i32
      %parallel_loop3A_208 = arith.constant 1 : i32
      scf.for %parallel_loop3A_247 = %parallel_loop3A to %parallel_loop3A_207 step %parallel_loop3A_208  : i32 {
        %parallel_loop3A_248 = arith.constant 16 : i32
        %parallel_loop3A_249 = arith.muli %parallel_loop3A_247, %parallel_loop3A_248 : i32
        %parallel_loop3A_250 = arith.constant 0 : i32
        %parallel_loop3A_251 = arith.addi %parallel_loop3A_250, %parallel_loop3A_249 : i32
        %parallel_loop3A_252 = arith.constant 0 : i32
        %parallel_loop3A_253 = arith.index_cast %parallel_loop3A_252 : i32 to index
        %parallel_loop3A_254 = arith.index_cast %parallel_loop3A_251 : i32 to index
        %parallel_loop3A_255 = tpu.vector_load %arg6[%parallel_loop3A_253, %parallel_loop3A_254] {strides = array<i32>} : memref<1x16384xi32, #tpu.memory_space<vmem>>, vector<16xi32>,
        %parallel_loop3A_256 = tpu.vector_load_idx %arg5[%broadcast_in_dim3A_1, %parallel_loop3A_255] : memref<1x100000xf32, #tpu.memory_space<vmem>>[vector<16xi32>, vector<16xi32>], vector<16xf32>,
        %parallel_loop3A_257 = arith.constant 0 : i32
        %parallel_loop3A_258 = arith.index_cast %parallel_loop3A_257 : i32 to index
        %parallel_loop3A_259 = arith.index_cast %parallel_loop3A_249 : i32 to index
        %parallel_loop3A_260 = tpu.vector_load %arg7[%parallel_loop3A_258, %parallel_loop3A_259] {strides = array<i32>} : memref<1x4096xf32, #tpu.memory_space<vmem>>, vector<16xf32>,
        tpu.vector_store %arg7[%parallel_loop3A_258, %parallel_loop3A_259], %parallel_loop3A_256 {strides = array<i32>} : memref<1x4096xf32, #tpu.memory_space<vmem>>, vector<16xf32>,
      } {sc.loop_unroll_factor = 8 : i64, sc.parallel_access}
      %dma_start3A_209 = arith.constant 0 : i32
      %dma_start3A_210 = tpu.memref_slice %arg4[%add3A_24, %dma_start3A_209] : memref<416x16384xf32, #tpu.memory_space<hbm>> -> memref<1x4096xf32, #tpu.memory_space<hbm>>
      %dma_start3A_211 = arith.constant 0 : i32
      %dma_start3A_212 = tpu.memref_slice %arg4[%add3A_24, %dma_start3A_211] : memref<416x16384xf32, #tpu.memory_space<hbm>> -> memref<1x4096xf32, #tpu.memory_space<hbm>>
      tpu.enqueue_dma source(%arg7 : memref<1x4096xf32, #tpu.memory_space<vmem>>) target(%dma_start3A_212 : memref<1x4096xf32, #tpu.memory_space<hbm>>) target_semaphore(%arg10 : memref<!tpu.dma_semaphore, #tpu.memory_space<semaphore_mem>>)
      %gt3A_213 = arith.constant 0 : i32
      %gt3A_214 = arith.cmpi sgt, %scan3A_20, %gt3A_213 : i32
      %convert_element_type3A_215 = arith.extui %gt3A_214 : i1 to i32
      %cond3A_216 = arith.constant 0 : i32
      %cond3A_217 = arith.cmpi ne, %convert_element_type3A_215, %cond3A_216 : i32
      scf.if %cond3A_217 {
        %sub3A_247 = arith.constant 1 : i32
        %sub3A_248 = arith.subi %add3A_24, %sub3A_247 : i32
        %dma_wait3A_249 = arith.constant 12288 : i32
        %dma_wait3A_250 = tpu.memref_slice %arg4[%sub3A_248, %dma_wait3A_249] : memref<416x16384xf32, #tpu.memory_space<hbm>> -> memref<1x4096xf32, #tpu.memory_space<hbm>>
        %dma_wait3A_251 = arith.constant 12288 : i32
        %dma_wait3A_252 = tpu.memref_slice %arg4[%sub3A_248, %dma_wait3A_251] : memref<416x16384xf32, #tpu.memory_space<hbm>> -> memref<1x4096xf32, #tpu.memory_space<hbm>>
        tpu.wait_dma2 semaphore(%arg11 : memref<!tpu.dma_semaphore, #tpu.memory_space<semaphore_mem>>) src(%arg8 : memref<1x4096xf32, #tpu.memory_space<vmem>>) dst(%dma_wait3A_252 : memref<1x4096xf32, #tpu.memory_space<hbm>>)
      } else {
      }
      %parallel_loop3A_218 = arith.constant 0 : i32
      %parallel_loop3A_219 = arith.constant 256 : i32
      %parallel_loop3A_220 = arith.constant 1 : i32
      scf.for %parallel_loop3A_247 = %parallel_loop3A_218 to %parallel_loop3A_219 step %parallel_loop3A_220  : i32 {
        %parallel_loop3A_248 = arith.constant 16 : i32
        %parallel_loop3A_249 = arith.muli %parallel_loop3A_247, %parallel_loop3A_248 : i32
        %parallel_loop3A_250 = arith.constant 4096 : i32
        %parallel_loop3A_251 = arith.addi %parallel_loop3A_250, %parallel_loop3A_249 : i32
        %parallel_loop3A_252 = arith.constant 0 : i32
        %parallel_loop3A_253 = arith.index_cast %parallel_loop3A_252 : i32 to index
        %parallel_loop3A_254 = arith.index_cast %parallel_loop3A_251 : i32 to index
        %parallel_loop3A_255 = tpu.vector_load %arg6[%parallel_loop3A_253, %parallel_loop3A_254] {strides = array<i32>} : memref<1x16384xi32, #tpu.memory_space<vmem>>, vector<16xi32>,
        %parallel_loop3A_256 = tpu.vector_load_idx %arg5[%broadcast_in_dim3A_1, %parallel_loop3A_255] : memref<1x100000xf32, #tpu.memory_space<vmem>>[vector<16xi32>, vector<16xi32>], vector<16xf32>,
        %parallel_loop3A_257 = arith.constant 0 : i32
        %parallel_loop3A_258 = arith.index_cast %parallel_loop3A_257 : i32 to index
        %parallel_loop3A_259 = arith.index_cast %parallel_loop3A_249 : i32 to index
        %parallel_loop3A_260 = tpu.vector_load %arg8[%parallel_loop3A_258, %parallel_loop3A_259] {strides = array<i32>} : memref<1x4096xf32, #tpu.memory_space<vmem>>, vector<16xf32>,
        tpu.vector_store %arg8[%parallel_loop3A_258, %parallel_loop3A_259], %parallel_loop3A_256 {strides = array<i32>} : memref<1x4096xf32, #tpu.memory_space<vmem>>, vector<16xf32>,
      } {sc.loop_unroll_factor = 8 : i64, sc.parallel_access}
      %dma_start3A_221 = arith.constant 4096 : i32
      %dma_start3A_222 = tpu.memref_slice %arg4[%add3A_24, %dma_start3A_221] : memref<416x16384xf32, #tpu.memory_space<hbm>> -> memref<1x4096xf32, #tpu.memory_space<hbm>>
      %dma_start3A_223 = arith.constant 4096 : i32
      %dma_start3A_224 = tpu.memref_slice %arg4[%add3A_24, %dma_start3A_223] : memref<416x16384xf32, #tpu.memory_space<hbm>> -> memref<1x4096xf32, #tpu.memory_space<hbm>>
      tpu.enqueue_dma source(%arg8 : memref<1x4096xf32, #tpu.memory_space<vmem>>) target(%dma_start3A_224 : memref<1x4096xf32, #tpu.memory_space<hbm>>) target_semaphore(%arg11 : memref<!tpu.dma_semaphore, #tpu.memory_space<semaphore_mem>>)
      %dma_wait3A_225 = arith.constant 0 : i32
      %dma_wait3A_226 = tpu.memref_slice %arg4[%add3A_24, %dma_wait3A_225] : memref<416x16384xf32, #tpu.memory_space<hbm>> -> memref<1x4096xf32, #tpu.memory_space<hbm>>
      %dma_wait3A_227 = arith.constant 0 : i32
      %dma_wait3A_228 = tpu.memref_slice %arg4[%add3A_24, %dma_wait3A_227] : memref<416x16384xf32, #tpu.memory_space<hbm>> -> memref<1x4096xf32, #tpu.memory_space<hbm>>
      tpu.wait_dma2 semaphore(%arg10 : memref<!tpu.dma_semaphore, #tpu.memory_space<semaphore_mem>>) src(%arg7 : memref<1x4096xf32, #tpu.memory_space<vmem>>) dst(%dma_wait3A_228 : memref<1x4096xf32, #tpu.memory_space<hbm>>)
      %parallel_loop3A_229 = arith.constant 0 : i32
      %parallel_loop3A_230 = arith.constant 256 : i32
      %parallel_loop3A_231 = arith.constant 1 : i32
      scf.for %parallel_loop3A_247 = %parallel_loop3A_229 to %parallel_loop3A_230 step %parallel_loop3A_231  : i32 {
        %parallel_loop3A_248 = arith.constant 16 : i32
        %parallel_loop3A_249 = arith.muli %parallel_loop3A_247, %parallel_loop3A_248 : i32
        %parallel_loop3A_250 = arith.constant 8192 : i32
        %parallel_loop3A_251 = arith.addi %parallel_loop3A_250, %parallel_loop3A_249 : i32
        %parallel_loop3A_252 = arith.constant 0 : i32
        %parallel_loop3A_253 = arith.index_cast %parallel_loop3A_252 : i32 to index
        %parallel_loop3A_254 = arith.index_cast %parallel_loop3A_251 : i32 to index
        %parallel_loop3A_255 = tpu.vector_load %arg6[%parallel_loop3A_253, %parallel_loop3A_254] {strides = array<i32>} : memref<1x16384xi32, #tpu.memory_space<vmem>>, vector<16xi32>,
        %parallel_loop3A_256 = tpu.vector_load_idx %arg5[%broadcast_in_dim3A_1, %parallel_loop3A_255] : memref<1x100000xf32, #tpu.memory_space<vmem>>[vector<16xi32>, vector<16xi32>], vector<16xf32>,
        %parallel_loop3A_257 = arith.constant 0 : i32
        %parallel_loop3A_258 = arith.index_cast %parallel_loop3A_257 : i32 to index
        %parallel_loop3A_259 = arith.index_cast %parallel_loop3A_249 : i32 to index
        %parallel_loop3A_260 = tpu.vector_load %arg7[%parallel_loop3A_258, %parallel_loop3A_259] {strides = array<i32>} : memref<1x4096xf32, #tpu.memory_space<vmem>>, vector<16xf32>,
        tpu.vector_store %arg7[%parallel_loop3A_258, %parallel_loop3A_259], %parallel_loop3A_256 {strides = array<i32>} : memref<1x4096xf32, #tpu.memory_space<vmem>>, vector<16xf32>,
      } {sc.loop_unroll_factor = 8 : i64, sc.parallel_access}
      %dma_start3A_232 = arith.constant 8192 : i32
      %dma_start3A_233 = tpu.memref_slice %arg4[%add3A_24, %dma_start3A_232] : memref<416x16384xf32, #tpu.memory_space<hbm>> -> memref<1x4096xf32, #tpu.memory_space<hbm>>
      %dma_start3A_234 = arith.constant 8192 : i32
      %dma_start3A_235 = tpu.memref_slice %arg4[%add3A_24, %dma_start3A_234] : memref<416x16384xf32, #tpu.memory_space<hbm>> -> memref<1x4096xf32, #tpu.memory_space<hbm>>
      tpu.enqueue_dma source(%arg7 : memref<1x4096xf32, #tpu.memory_space<vmem>>) target(%dma_start3A_235 : memref<1x4096xf32, #tpu.memory_space<hbm>>) target_semaphore(%arg10 : memref<!tpu.dma_semaphore, #tpu.memory_space<semaphore_mem>>)
      %dma_wait3A_236 = arith.constant 4096 : i32
      %dma_wait3A_237 = tpu.memref_slice %arg4[%add3A_24, %dma_wait3A_236] : memref<416x16384xf32, #tpu.memory_space<hbm>> -> memref<1x4096xf32, #tpu.memory_space<hbm>>
      %dma_wait3A_238 = arith.constant 4096 : i32
      %dma_wait3A_239 = tpu.memref_slice %arg4[%add3A_24, %dma_wait3A_238] : memref<416x16384xf32, #tpu.memory_space<hbm>> -> memref<1x4096xf32, #tpu.memory_space<hbm>>
      tpu.wait_dma2 semaphore(%arg11 : memref<!tpu.dma_semaphore, #tpu.memory_space<semaphore_mem>>) src(%arg8 : memref<1x4096xf32, #tpu.memory_space<vmem>>) dst(%dma_wait3A_239 : memref<1x4096xf32, #tpu.memory_space<hbm>>)
      %parallel_loop3A_240 = arith.constant 0 : i32
      %parallel_loop3A_241 = arith.constant 256 : i32
      %parallel_loop3A_242 = arith.constant 1 : i32
      scf.for %parallel_loop3A_247 = %parallel_loop3A_240 to %parallel_loop3A_241 step %parallel_loop3A_242  : i32 {
        %parallel_loop3A_248 = arith.constant 16 : i32
        %parallel_loop3A_249 = arith.muli %parallel_loop3A_247, %parallel_loop3A_248 : i32
        %parallel_loop3A_250 = arith.constant 12288 : i32
        %parallel_loop3A_251 = arith.addi %parallel_loop3A_250, %parallel_loop3A_249 : i32
        %parallel_loop3A_252 = arith.constant 0 : i32
        %parallel_loop3A_253 = arith.index_cast %parallel_loop3A_252 : i32 to index
        %parallel_loop3A_254 = arith.index_cast %parallel_loop3A_251 : i32 to index
        %parallel_loop3A_255 = tpu.vector_load %arg6[%parallel_loop3A_253, %parallel_loop3A_254] {strides = array<i32>} : memref<1x16384xi32, #tpu.memory_space<vmem>>, vector<16xi32>,
        %parallel_loop3A_256 = tpu.vector_load_idx %arg5[%broadcast_in_dim3A_1, %parallel_loop3A_255] : memref<1x100000xf32, #tpu.memory_space<vmem>>[vector<16xi32>, vector<16xi32>], vector<16xf32>,
        %parallel_loop3A_257 = arith.constant 0 : i32
        %parallel_loop3A_258 = arith.index_cast %parallel_loop3A_257 : i32 to index
        %parallel_loop3A_259 = arith.index_cast %parallel_loop3A_249 : i32 to index
        %parallel_loop3A_260 = tpu.vector_load %arg8[%parallel_loop3A_258, %parallel_loop3A_259] {strides = array<i32>} : memref<1x4096xf32, #tpu.memory_space<vmem>>, vector<16xf32>,
        tpu.vector_store %arg8[%parallel_loop3A_258, %parallel_loop3A_259], %parallel_loop3A_256 {strides = array<i32>} : memref<1x4096xf32, #tpu.memory_space<vmem>>, vector<16xf32>,
      } {sc.loop_unroll_factor = 8 : i64, sc.parallel_access}
      %dma_start3A_243 = arith.constant 12288 : i32
      %dma_start3A_244 = tpu.memref_slice %arg4[%add3A_24, %dma_start3A_243] : memref<416x16384xf32, #tpu.memory_space<hbm>> -> memref<1x4096xf32, #tpu.memory_space<hbm>>
      %dma_start3A_245 = arith.constant 12288 : i32
      %dma_start3A_246 = tpu.memref_slice %arg4[%add3A_24, %dma_start3A_245] : memref<416x16384xf32, #tpu.memory_space<hbm>> -> memref<1x4096xf32, #tpu.memory_space<hbm>>
      tpu.enqueue_dma source(%arg8 : memref<1x4096xf32, #tpu.memory_space<vmem>>) target(%dma_start3A_246 : memref<1x4096xf32, #tpu.memory_space<hbm>>) target_semaphore(%arg11 : memref<!tpu.dma_semaphore, #tpu.memory_space<semaphore_mem>>)
      scf.yield %select_n3A : i32
    }
    %scan3A_7 = arith.constant 13 : i32
    %mul3A_8 = arith.constant 13 : i32
    %mul3A_9 = arith.muli %add3A, %mul3A_8 : i32
    %add3A_10 = arith.constant 13 : i32
    %add3A_11 = arith.addi %mul3A_9, %add3A_10 : i32
    %sub3A = arith.constant 1 : i32
    %sub3A_12 = arith.subi %add3A_11, %sub3A : i32
    %dma_wait3A = arith.constant 8192 : i32
    %dma_wait3A_13 = tpu.memref_slice %arg4[%sub3A_12, %dma_wait3A] : memref<416x16384xf32, #tpu.memory_space<hbm>> -> memref<1x4096xf32, #tpu.memory_space<hbm>>
    %dma_wait3A_14 = arith.constant 8192 : i32
    %dma_wait3A_15 = tpu.memref_slice %arg4[%sub3A_12, %dma_wait3A_14] : memref<416x16384xf32, #tpu.memory_space<hbm>> -> memref<1x4096xf32, #tpu.memory_space<hbm>>
    tpu.wait_dma2 semaphore(%arg10 : memref<!tpu.dma_semaphore, #tpu.memory_space<semaphore_mem>>) src(%arg7 : memref<1x4096xf32, #tpu.memory_space<vmem>>) dst(%dma_wait3A_15 : memref<1x4096xf32, #tpu.memory_space<hbm>>)
    %dma_wait3A_16 = arith.constant 12288 : i32
    %dma_wait3A_17 = tpu.memref_slice %arg4[%sub3A_12, %dma_wait3A_16] : memref<416x16384xf32, #tpu.memory_space<hbm>> -> memref<1x4096xf32, #tpu.memory_space<hbm>>
    %dma_wait3A_18 = arith.constant 12288 : i32
    %dma_wait3A_19 = tpu.memref_slice %arg4[%sub3A_12, %dma_wait3A_18] : memref<416x16384xf32, #tpu.memory_space<hbm>> -> memref<1x4096xf32, #tpu.memory_space<hbm>>
    tpu.wait_dma2 semaphore(%arg11 : memref<!tpu.dma_semaphore, #tpu.memory_space<semaphore_mem>>) src(%arg8 : memref<1x4096xf32, #tpu.memory_space<vmem>>) dst(%dma_wait3A_19 : memref<1x4096xf32, #tpu.memory_space<hbm>>)
    return
  }
}

</mosaic_0001>

<sc_bundles>
// kernel: kernel.3.cloned.1.call-start
scs
__scs_entry_jumppad:
0x0: {  	(pc) =	sbr.rel $0x88, $3  }
0x1: {  	(tag) =	ssettag $0x0;
	lr =	simm.s32 $0x1  }
0x2: {  	[smem:$0x3F9F] =	sst lr;
	_ =	strace $0xD0000000  }
0x3: {  	_ = 	snop  }
0x4: {  	_ = 	snop  }
0x5: {  	_ = 	snop  }
0x6: {  	_ = 	snop  }
0x7: {  	_ = 	snop  }
__scs_overlays_trampoline_lowered:
0x8: {  	[smem:$0x3FAE] =	sst s0  }
0x9: {  	[smem:$0x3FAF] =	sst s1  }
0xa: {  	[smem:$0x3FB0] =	sst s2  }
0xb: {  	[smem:$0x3FB1] =	sst s3  }
0xc: {  	[smem:$0x3FB2] =	sst s4  }
0xd: {  	[smem:$0x3FB3] =	sst s5  }
0xe: {  	[smem:$0x3FB4] =	sst s6  }
0xf: {  	[smem:$0x3FB5] =	sst s7  }
0x10: {  	[smem:$0x3FB6] =	sst s8  }
0x11: {  	[smem:$0x3FB7] =	sst s9;
	s0 =	simm.s32 @!p0 $0x0  }
0x12: {  	s1 =	sld [smem:$0x3F9D];
	s0 =	simm.s32 @p0 $0x1  }
0x13: {  	[smem:$0x3FB8] =	sst s0;
	s0 =	simm.s32 @!p1 $0x0  }
0x14: {  	s2 =	sld [smem:$0x3F9C];
	s0 =	simm.s32 @p1 $0x1  }
0x15: {  	[smem:$0x3FB9] =	sst s0;
	s0 =	simm.s32 @!p2 $0x0  }
0x16: {  	s3 =	sld [smem:$0x3FDB];
	s0 =	simm.s32 @p2 $0x1  }
0x17: {  	s4 =	simm.s32 $0x1BF5;
	[smem:$0x3FBB] =	sst s0  }
0x18: {  	s0 =	sld [smem:$0x3F9E];
	_ =	swait.ge [sflag:s4], $0x0  }
0x19: {  	s7 =	sld [smem:$0x3F9F]  }
0x1a: {  	s8 =	sadd.s32 $0xFFFFE003, lr  }
0x1b: {  	s9 =	sadd.s32 $0xFFFFFEF7, lr;
	s5 =	simm.s32 $0xFFFFFFFF;
	p2 =	slt.u32 s8, $0xFFFFF086  }
0x1c: {  	p1 =	slt.u32 s9, $0xF7A;
	s5 =	simm.s32 @!p2 $0x0  }
0x1d: {  	s5 =	simm.s32 @p1 $0x1;
	p0 =	seq.s32 s7, s2  }
0x1e: {  	s7 =	smul.u32 @!p0 $0xF7A, s2;
	p2 =	seq.s32 @!p0 s5, $0x0  }
0x1f: {  	s9 =	smul.u32 $0xF7A, s1;
	s8 =	simm.s32 @!p0 $0x1BF5;
	p2 =	por !p2, p0  }
0x20: {  	[sflag:s8] =	ssyncset.s32 @!p0 $0xFFFFF086;
	s6 =	sadd.s32 @!p0 s3, s7;
	s7 =	simm.s32 @!p0 $0x108  }
0x21: {  	s3 =	sadd.s32 s3, s9;
	s6 =	sadd.s32 @!p0 $0x88, s6;
	s7 =	simm.s32 @p2 $0x1082  }
0x22: {  	[simem:s7], [sflag:s8] =	dma.local @!p0 [hbm:s6], $0xF7A  }
0x23: {  	s9 =	sor.u32 $0xD0000000, s2;
	s6 =	simm.s32 $0x108;
	_ =	swait.ge @!p0 [sflag:s8], $0x0  }
0x24: {  	s3 =	sadd.s32 $0x88, s3;
	s6 =	simm.s32 @!p1 $0x1082;
	[sflag:s4] =	ssyncset.s32 $0xFFFFF086  }
0x25: {  	[simem:s6], [sflag:s4] =	dma.local [hbm:s3], $0xF7A  }
0x26: {  	[smem:$0x3F9F] =	sst s1;
	(tag) =	ssettag s2;
	_ =	strace s9  }
0x27: {  	s1 =	sld [smem:$0x3FAF]  }
0x28: {  	s2 =	sld [smem:$0x3FB0]  }
0x29: {  	s4 =	sld [smem:$0x3FB2]  }
0x2a: {  	p0 =	seq.s32 s5, $0x0;
	s5 =	sld [smem:$0x3FB3]  }
0x2b: {  	s6 =	sld [smem:$0x3FB4]  }
0x2c: {  	s7 =	sld [smem:$0x3FB5]  }
0x2d: {  	s3 =	simm.s32 $0x108;
	s8 =	sld [smem:$0x3FB6]  }
0x2e: {  	s3 =	simm.s32 @!p0 $0x1082;
	s9 =	sld [smem:$0x3FB7]  }
0x2f: {  	lr =	sadd.s32 s0, s3;
	s0 =	sld [smem:$0x3FAE]  }
0x30: {  	s3 =	sld [smem:$0x3FB1]  }
0x31: {  	[smem:$0x3FBA] =	sst s10  }
0x32: {  	s10 =	sld [smem:$0x3FB8];
	_ =	sdelay $0x3  }
0x33: {  	p0 =	seq.s32 s10, $0x1;
	s10 =	sld [smem:$0x3FBA];
	_ =	sdelay $0x3  }
0x34: {  	[smem:$0x3FBA] =	sst s10  }
0x35: {  	s10 =	sld [smem:$0x3FB9];
	_ =	sdelay $0x3  }
0x36: {  	p1 =	seq.s32 s10, $0x1;
	s10 =	sld [smem:$0x3FBA];
	_ =	sdelay $0x3  }
0x37: {  	[smem:$0x3FBA] =	sst s10  }
0x38: {  	s10 =	sld [smem:$0x3FBB]  }
0x39: {  	_ = 	snop;
	(pc) =	sbr.ind lr, $3  }
0x3a: {  	_ = 	snop  }
0x3b: {  	_ = 	snop  }
0x3c: {  	p2 =	seq.s32 s10, $0x1;
	s10 =	sld [smem:$0x3FBA]  }
0x3d: {  	_ =	shalt  }
0x3e: {  	_ =	shalt  }
0x3f: {  	_ =	shalt  }
0x40: {  	_ =	shalt  }
0x41: {  	_ =	shalt  }
0x42: {  	_ =	shalt  }
0x43: {  	_ =	shalt  }
0x44: {  	_ =	shalt  }
0x45: {  	_ =	shalt  }
0x46: {  	_ =	shalt  }
0x47: {  	_ =	shalt  }
0x48: {  	_ =	shalt  }
0x49: {  	_ =	shalt  }
0x4a: {  	_ =	shalt  }
0x4b: {  	_ =	shalt  }
0x4c: {  	_ =	shalt  }
0x4d: {  	_ =	shalt  }
0x4e: {  	_ =	shalt  }
0x4f: {  	_ =	shalt  }
0x50: {  	_ =	shalt  }
0x51: {  	_ =	shalt  }
0x52: {  	_ =	shalt  }
0x53: {  	_ =	shalt  }
0x54: {  	_ =	shalt  }
0x55: {  	_ =	shalt  }
0x56: {  	_ =	shalt  }
0x57: {  	_ =	shalt  }
0x58: {  	_ =	shalt  }
0x59: {  	_ =	shalt  }
0x5a: {  	_ =	shalt  }
0x5b: {  	_ =	shalt  }
0x5c: {  	_ =	shalt  }
0x5d: {  	_ =	shalt  }
0x5e: {  	_ =	shalt  }
0x5f: {  	_ =	shalt  }
0x60: {  	_ =	shalt  }
0x61: {  	_ =	shalt  }
0x62: {  	_ =	shalt  }
0x63: {  	_ =	shalt  }
0x64: {  	_ =	shalt  }
0x65: {  	_ =	shalt  }
0x66: {  	_ =	shalt  }
0x67: {  	_ =	shalt  }
0x68: {  	_ =	shalt  }
0x69: {  	_ =	shalt  }
0x6a: {  	_ =	shalt  }
0x6b: {  	_ =	shalt  }
0x6c: {  	_ =	shalt  }
0x6d: {  	_ =	shalt  }
0x6e: {  	_ =	shalt  }
0x6f: {  	_ =	shalt  }
0x70: {  	_ =	shalt  }
0x71: {  	_ =	shalt  }
0x72: {  	_ =	shalt  }
0x73: {  	_ =	shalt  }
0x74: {  	_ =	shalt  }
0x75: {  	_ =	shalt  }
0x76: {  	_ =	shalt  }
0x77: {  	_ =	shalt  }
0x78: {  	_ =	shalt  }
0x79: {  	_ =	shalt  }
0x7a: {  	_ =	shalt  }
0x7b: {  	_ =	shalt  }
0x7c: {  	_ =	shalt  }
0x7d: {  	_ =	shalt  }
0x7e: {  	_ =	shalt  }
0x7f: {  	_ =	shalt  }
0x80: {  	_ =	shalt  }
0x81: {  	_ =	shalt  }
0x82: {  	_ =	shalt  }
0x83: {  	_ =	shalt  }
0x84: {  	_ =	shalt  }
0x85: {  	_ =	shalt  }
0x86: {  	_ =	shalt  }
0x87: {  	_ =	shalt  }
.Lfunc_end0:
.L_simem_size_0:
called_computation_lowered:
.L_overlay_start_0:
0x88: {  	s2 =	sld [smem:$0x3FD9]  }
0x89: {  	s3 =	sld [smem:$0x3FFE];
	_ =	sdelay $0x1  }
0x8a: {  	s1 =	srdreg.scid  }
0x8b: {  	s0 =	sand.u32 $0x1, s1  }
0x8c: {  	s18 =	sshll.u32 s0, $0xA;
	s2 =	sadd.s32 s3, s2  }
0x8d: {  	s2 =	sadd.s32 s2, s18  }
0x8e: {  	[smem:$0x3FC6] =	sst s2  }
0x8f: {  	_ = 	snop  }
0x90: {  	s2 =	sld [smem:$0x3FC9]  }
0x91: {  	s19 =	sld [smem:$0x3FC8]  }
0x92: {  	s4 =	sld [smem:$0x3FD0];
	(tm) =	ssettm $0x1  }
0x93: {  	s5 =	sld [smem:$0x3FFB];
	_ =	sdelay $0x3  }
0x94: {  	_ =	strace s5  }
0x95: {  	s5 =	sld [smem:$0x3FFC];
	_ =	sdelay $0x3  }
0x96: {  	_ =	strace s5  }
0x97: {  	s5 =	sld [smem:$0x3FFD];
	_ =	sdelay $0x3  }
0x98: {  	_ =	strace s5  }
0x99: {  	_ =	strace $0x8FFFFFFF  }
0x9a: {  	s20 =	sld [smem:$0x3FDB];
	_ =	sdelay $0x1  }
0x9b: {  	s6 =	simm.s32 $_scs_section_size  }
0x9c: {  	s7 =	simm.s32 $_size__tile_overlayer_lowered;
	s8 =	simm.s32 $_tile_overlayer_lowered  }
0x9d: {  	s23 =	simm.s32 $0x1BFF;
	s22 =	sshll.u32 s8, $0x1;
	s5 =	sadd.s32 s6, s20  }
0x9e: {  	s9 =	simm.s32 $0x0;
	s21 =	sshll.u32 s7, $0x1;
	s7 =	sadd.s32 s22, s5  }
0x9f: {  	[timem:s9], [sflag:s23] =	dma.local [hbm:s7], s21  }
0xa0: {  	_ =	swait.ge [sflag:s23], s21  }
0xa1: {  	s6 =	ssub.s32 $0x0, s21;
	[sflag:s23] =	ssyncset.done $0x0  }
0xa2: {  	[sflag:s23] =	ssyncadd.s32 s6;
	_ =	sdelay $0x1  }
0xa3: {  	s24 =	simm.s32 $0x1B8B  }
0xa4: {  	_ =	swait.ge [sflag:s24], $0x1  }
0xa5: {  	[sflag:s24] =	ssyncset.done $0x0  }
0xa6: {  	s25 =	simm.s32 $0x1B8E;
	[sflag:s24] =	ssyncadd.s32 $0xFFFFFFFF  }
0xa7: {  	s26 =	simm.s32 $execute0_lowered;
	[smem:$0x3FD2] =	sst s25  }
0xa8: {  	s6 =	sshll.u32 s26, $0x1;
	_ =	strace $0x80000046;
	[dreg:$0x1] =	wrdreg $0xFFFFFFFF  }
0xa9: {  	s28 =	simm.s32 $_size_execute0_lowered;
	s5 =	sadd.s32 s5, s6;
	[dreg:$0x0] =	wrdreg $0x0  }
0xaa: {  	s6 =	sshll.u32 s28, $0x1;
	[dreg:$0x2] =	wrdreg s5  }
0xab: {  	[dreg:$0x3] =	wrdreg s6  }
0xac: {  	[dreg:$0x4] =	wrdreg $0xC0  }
0xad: {  	_ =	task [dreg:s9], $0x5FFFF  }
0xae: {  	[dreg:$0x1] =	wrdreg $0xFFFFFFFF  }
0xaf: {  	[dreg:$0x0] =	wrdreg $0x60  }
0xb0: {  	[dreg:$0x2] =	wrdreg s19  }
0xb1: {  	[dreg:$0x3] =	wrdreg s2  }
0xb2: {  	[dreg:$0x4] =	wrdreg s4  }
0xb3: {  	[dreg:$0x5] =	wrdreg $0x9  }
0xb4: {  	_ =	task.clear_ibuf [dreg:s9], $0x6FFFF;
	_ =	strace $0x90000046  }
0xb5: {  	s29 =	simm.s32 $0x9;
	_ =	strace $0x80000048  }
0xb6: {  	_ =	swait.ge [sflag:s29], $0x1  }
0xb7: {  	[sflag:s29] =	ssyncadd.s32 $0xFFFFFFFF  }
0xb8: {  	_ =	strace $0x90000048  }
0xb9: {  	_ =	sfence  }
0xba: {  	s30 =	sld [smem:$0x0];
	_ =	sdelay $0x2  }
0xbb: {  	s31 =	sshll.u32 s1, $0xD;
	s1 =	sshrl.u32 s1, $0x2  }
0xbc: {  	s3 =	sand.u32 $0x4000, s31;
	s1 =	sadd.s32 s1, s30  }
0xbd: {  	s0 =	sor.u32 s3, s0;
	s1 =	sshll.u32 s1, $0x11  }
0xbe: {  	s0 =	sor.u32 s1, s0  }
0xbf: {  	s0 =	sadd.s32 $0x8F2B, s0  }
0xc0: {  	[sflag:s0] =	ssyncadd.remote.s32 $0x1  }
0xc1: {  	_ =	sfence.sel $0xFFFF  }
0xc2: {  	[dreg:$0x0] =	wrdreg $0xFFFFFFFF;
	(pc) =	sbr.abs _section_cstart, $3  }
0xc3: {  	[dreg:$0x1] =	wrdreg $0xFFFFFFFF  }
0xc4: {  	_ =	task.clear_ibuf [dreg:s9], $0x2FFFF;
	_ =	strace $0x9FFFFFFF  }
0xc5: {  	(tm) =	ssettm $0x7FFFFFFF  }
tec
execute0_lowered:
.L_overlay_start_1:
0x0: {  	(tag) =	ssettag $0x1  }
0x1: {  	s1 =	rddreg [dreg:$0x0]  }
0x2: {  	s2 =	rddreg [dreg:$0x1]  }
0x3: {  	s4 =	rddreg [dreg:$0x2];
	s0 =	srdreg.scid;
	s5 =	simm.s32 $0x0  }
0x4: {  	s6 =	stileid.u32;
	s11 =	simm.s32 $0x80;
	s12 =	simm.s32 $0x400  }
0x5: {  	s13 =	simm.s32 $0x3100;
	s14 =	simm.s32 $0x6200;
	s15 =	simm.s32 $0x9300  }
0x6: {  	s16 =	simm.s32 $0xC400;
	s17 =	simm.s32 $0xF500;
	s18 =	simm.s32 $0x12600  }
0x7: {  	s19 =	simm.s32 $0x15700;
	s20 =	simm.s32 $0x1;
	s21 =	simm.s32 $0x1C700  }
0x8: {  	s22 =	simm.s32 $0x1D700;
	s23 =	simm.s32 $0x2;
	s0 =	sand.u32 $0x1, s0  }
0x9: {  	s24 =	simm.s32 $0x3;
	s25 =	simm.s32 $0x0;
	s3 =	ssub.s32 $0x2, s0  }
0xa: {  	[smem:$0x7FF] =	sst s5;
	s6 =	sshll.u32 s6, $0x1;
	s7 =	sshrl.u32 s3, $0x1  }
0xb: {  	s8 =	sadd.s32 $0x2000, s4;
	s9 =	sadd.s32 $0x3000, s4;
	s3 =	ssub.s32 s3, s7  }
0xc: {  	_ =	strace $0x80000047;
	s0 =	sor.u32 s0, s6;
	s31 =	smax.u32 s3, $0x1  }
0xd: {  	s6 =	smul.u32 $0xD, s0;
	s7 =	sadd.s32 $0x1000, s4;
	[dreg:$0x4] =	wrdreg s31  }
.LBB2_1:
0xe: {  	s28 =	simm.s32 $0xFFFFFFFF;
	s26 =	simm.s32 $0x0  }
.LBB2_2:
0xf: {  	s0 =	sadd.s32 s6, s26  }
0x10: {  	s29 =	sshrl.u32 s0, $0x3  }
0x11: {  	s30 =	sshll.u32 s0, $0x7;
	s3 =	smul.u32 $0xC3800, s29  }
0x12: {  	s30 =	sand.u32 $0x380, s30  }
0x13: {  	s3 =	sor.u32 s30, s3  }
0x14: {  	s31 =	sshrl.u32 s3, $0x3  }
0x15: {  	s31 =	sadd.s32 s1, s31  }
0x16: {  	[tilespmem:s5], [sflag:$0x1] =	stream.strided.gather [hbm4b:s31+s11], $0x3100, s12, s11, $0x38;
	[tilespmem:$0x1E700] =	vst v63  }
0x17: {  	s31 =	sadd.s32 $0x18800, s3  }
0x18: {  	s31 =	sshrl.u32 s31, $0x3  }
0x19: {  	s31 =	sadd.s32 s1, s31  }
0x1a: {  	[tilespmem:s13], [sflag:$0x1] =	stream.strided.gather [hbm4b:s31+s11], $0x3100, s12, s11, $0x38;
	[tilespmem:$0x1E700] =	vst v63  }
0x1b: {  	s31 =	sadd.s32 $0x31000, s3  }
0x1c: {  	s31 =	sshrl.u32 s31, $0x3  }
0x1d: {  	s31 =	sadd.s32 s1, s31  }
0x1e: {  	[tilespmem:s14], [sflag:$0x1] =	stream.strided.gather [hbm4b:s31+s11], $0x3100, s12, s11, $0x38;
	[tilespmem:$0x1E700] =	vst v63  }
0x1f: {  	s31 =	sadd.s32 $0x49800, s3  }
0x20: {  	s31 =	sshrl.u32 s31, $0x3  }
0x21: {  	s31 =	sadd.s32 s1, s31  }
0x22: {  	[tilespmem:s15], [sflag:$0x1] =	stream.strided.gather [hbm4b:s31+s11], $0x3100, s12, s11, $0x38;
	[tilespmem:$0x1E700] =	vst v63  }
0x23: {  	s31 =	sadd.s32 $0x62000, s3  }
0x24: {  	s31 =	sshrl.u32 s31, $0x3  }
0x25: {  	s31 =	sadd.s32 s1, s31  }
0x26: {  	[tilespmem:s16], [sflag:$0x1] =	stream.strided.gather [hbm4b:s31+s11], $0x3100, s12, s11, $0x38;
	[tilespmem:$0x1E700] =	vst v63  }
0x27: {  	s31 =	sadd.s32 $0x7A800, s3  }
0x28: {  	s31 =	sshrl.u32 s31, $0x3  }
0x29: {  	s31 =	sadd.s32 s1, s31  }
0x2a: {  	[tilespmem:s17], [sflag:$0x1] =	stream.strided.gather [hbm4b:s31+s11], $0x3100, s12, s11, $0x38;
	[tilespmem:$0x1E700] =	vst v63  }
0x2b: {  	s31 =	sadd.s32 $0x93000, s3  }
0x2c: {  	s31 =	sshrl.u32 s31, $0x3  }
0x2d: {  	s3 =	sadd.s32 $0xAB800, s3;
	s31 =	sadd.s32 s1, s31  }
0x2e: {  	[tilespmem:s18], [sflag:$0x1] =	stream.strided.gather [hbm4b:s31+s11], $0x3100, s12, s11, $0x38;
	[tilespmem:$0x1E700] =	vst v63  }
0x2f: {  	s3 =	sshrl.u32 s3, $0x3;
	s31 =	smov.u32 s28;
	s28 =	sshrl.u32 s0, $0x4  }
0x30: {  	s3 =	sadd.s32 s1, s3;
	p0 =	seq.s32 s28, s31  }
0x31: {  	[tilespmem:s19], [sflag:$0x1] =	stream.strided.gather [hbm4b:s3+s11], $0x3000, s12, s11, $0x38;
	[tilespmem:$0x1E700] =	vst v63  }
0x32: {  	s3 =	sshll.u32 @!p0 s28, $0xB;
	s0 =	sand.u32 @!p0 $0x70, s0  }
0x33: {  	s31 =	simm.s32 @!p0 $0x400;
	s3 =	sand.u32 @!p0 $0xFFFC000, s3;
	s0 =	sadd.s32 @!p0 s2, s0  }
0x34: {  	s10 =	simm.s32 @!p0 $0x18700;
	s0 =	sadd.s32 @!p0 s3, s0;
	s3 =	simm.s32 @!p0 $0x80  }
0x35: {  	[tilespmem:s10], [sflag:$0x4] =	stream.strided.gather @!p0 [hbm4b:s0+s3], $0x4000, s31, s3, $0x38;
	[tilespmem:$0x1E700] =	vst v63  }
0x36: {  	s0 =	simm.s32 @!p0 $0x4  }
0x37: {  	_ =	swait.ge @!p0 [sflag:s0], $0x4000  }
0x38: {  	[sflag:s0] =	ssyncset.done @!p0 $0x0  }
0x39: {  	[sflag:s0] =	ssyncadd.s32 @!p0 $0xFFFFC000  }
0x3a: {  	_ =	swait.ge [sflag:s20], $0x3100  }
0x3b: {  	[sflag:s20] =	ssyncset.done $0x0  }
0x3c: {  	[sflag:s20] =	ssyncadd.s32 $0xFFFFCF00  }
0x3d: {  	_ =	swait.ge [sflag:s20], $0x3100  }
0x3e: {  	[sflag:s20] =	ssyncset.done $0x0  }
0x3f: {  	[sflag:s20] =	ssyncadd.s32 $0xFFFFCF00  }
0x40: {  	_ =	swait.ge [sflag:s20], $0x3100  }
0x41: {  	[sflag:s20] =	ssyncset.done $0x0  }
0x42: {  	[sflag:s20] =	ssyncadd.s32 $0xFFFFCF00  }
0x43: {  	_ =	swait.ge [sflag:s20], $0x3100  }
0x44: {  	[sflag:s20] =	ssyncset.done $0x0  }
0x45: {  	[sflag:s20] =	ssyncadd.s32 $0xFFFFCF00  }
0x46: {  	_ =	swait.ge [sflag:s20], $0x3100  }
0x47: {  	[sflag:s20] =	ssyncset.done $0x0  }
0x48: {  	[sflag:s20] =	ssyncadd.s32 $0xFFFFCF00  }
0x49: {  	_ =	swait.ge [sflag:s20], $0x3100  }
0x4a: {  	[sflag:s20] =	ssyncset.done $0x0  }
0x4b: {  	[sflag:s20] =	ssyncadd.s32 $0xFFFFCF00  }
0x4c: {  	_ =	swait.ge [sflag:s20], $0x3100  }
0x4d: {  	[sflag:s20] =	ssyncset.done $0x0  }
0x4e: {  	[sflag:s20] =	ssyncadd.s32 $0xFFFFCF00  }
0x4f: {  	_ =	swait.ge [sflag:s20], $0x3000  }
0x50: {  	p0 =	seq.s32 s26, $0x0;
	[sflag:s20] =	ssyncset.done $0x0  }
0x51: {  	s0 =	simm.s32 @!p0 $0x2;
	[sflag:s20] =	ssyncadd.s32 $0xFFFFD000  }
0x52: {  	_ =	swait.ge @!p0 [sflag:s0], $0x1000  }
0x53: {  	[sflag:s0] =	ssyncset.done @!p0 $0x0  }
0x54: {  	s10 =	simm.s32 $0x18740;
	[sflag:s0] =	ssyncadd.s32 @!p0 $0xFFFFF000  }
0x55: {  	v0 =	vld [tilespmem:s10+$0x30]  }
0x56: {  	v1 =	vld [tilespmem:s10+$0xFFFFFFD0]  }
0x57: {  	v2 =	vld [tilespmem:s10+$0xFFFFFFE0]  }
0x58: {  	v3 =	vld [tilespmem:s10+$0xFFFFFFF0]  }
0x59: {  	v6 =	vld [tilespmem:s10+$0x0]  }
0x5a: {  	v7 =	vld [tilespmem:s10+$0x10]  }
0x5b: {  	v8 =	vld [tilespmem:s10+$0x20]  }
0x5c: {  	v9 =	vld [tilespmem:s10+$0xFFFFFFC0]  }
0x5d: {  	v10 =	vld.idx.msk [tilespmem:v0+s5+$0x0], $0xffff  }
0x5e: {  	v11 =	vld.idx.msk [tilespmem:v1+s5+$0x0], $0xffff  }
0x5f: {  	v5 =	vld.idx.msk [tilespmem:v2+s5+$0x0], $0xffff  }
0x60: {  	v4 =	vld.idx.msk [tilespmem:v3+s5+$0x0], $0xffff  }
0x61: {  	v3 =	vld.idx.msk [tilespmem:v6+s5+$0x0], $0xffff  }
0x62: {  	s31 =	simm.s32 $0x1C740;
	v1 =	vld.idx.msk [tilespmem:v7+s5+$0x0], $0xffff  }
0x63: {  	v0 =	vld.idx.msk [tilespmem:v8+s5+$0x0], $0xffff;
	[tilespmem:s31+$0x30] =	vst v10  }
0x64: {  	s3 =	simm.s32 $0x187C0;
	s0 =	simm.s32 $0x0;
	v2 =	vld.idx.msk [tilespmem:v9+s5+$0x0], $0xffff;
	[tilespmem:s31+$0xFFFFFFD0] =	vst v11  }
.LBB2_3:
0x65: {  	v6 =	vld [tilespmem:s3+$0x30];
	s0 =	sadd.s32 $0x8, s0;
	[tilespmem:s31+$0xFFFFFFE0] =	vst v5  }
0x66: {  	v5 =	vld [tilespmem:s3+$0xFFFFFFD0];
	p1 =	slt.u32 s0, $0xF8;
	[tilespmem:s31+$0xFFFFFFF0] =	vst v4  }
0x67: {  	v4 =	vld [tilespmem:s3+$0xFFFFFFE0];
	[tilespmem:s31+$0x0] =	vst v3  }
0x68: {  	v3 =	vld [tilespmem:s3+$0xFFFFFFF0];
	[tilespmem:s31+$0x10] =	vst v1  }
0x69: {  	v1 =	vld [tilespmem:s3+$0x0];
	[tilespmem:s31+$0x20] =	vst v0  }
0x6a: {  	v0 =	vld [tilespmem:s3+$0x10];
	[tilespmem:s31+$0xFFFFFFC0] =	vst v2  }
0x6b: {  	v2 =	vld [tilespmem:s3+$0x20]  }
0x6c: {  	v7 =	vld [tilespmem:s3+$0xFFFFFFC0]  }
0x6d: {  	v6 =	vld.idx.msk [tilespmem:v6+s5+$0x0], $0xffff  }
0x6e: {  	v8 =	vld.idx.msk [tilespmem:v5+s5+$0x0], $0xffff  }
0x6f: {  	v5 =	vld.idx.msk [tilespmem:v4+s5+$0x0], $0xffff  }
.Ltmp0:
0x70: {  	v4 =	vld.idx.msk [tilespmem:v3+s5+$0x0], $0xffff;
	(pc) =	sbr.rel @p1 .LBB2_3-.Ltmp0, $4  }
0x71: {  	v3 =	vld.idx.msk [tilespmem:v1+s5+$0x0], $0xffff  }
0x72: {  	s31 =	sadd.s32 $0x80, s31;
	v1 =	vld.idx.msk [tilespmem:v0+s5+$0x0], $0xffff  }
0x73: {  	v0 =	vld.idx.msk [tilespmem:v2+s5+$0x0], $0xffff;
	[tilespmem:s31+$0x30] =	vst v6  }
0x74: {  	s3 =	sadd.s32 $0x80, s3;
	v2 =	vld.idx.msk [tilespmem:v7+s5+$0x0], $0xffff;
	[tilespmem:s31+$0xFFFFFFD0] =	vst v8  }
0x75: {  	[tilespmem:s31+$0xFFFFFFE0] =	vst v5  }
0x76: {  	[tilespmem:s31+$0xFFFFFFF0] =	vst v4  }
0x77: {  	s0 =	sshll.u32 s29, $0x11;
	[tilespmem:s31+$0x0] =	vst v3  }
0x78: {  	s0 =	sor.u32 s30, s0;
	[tilespmem:s31+$0x10] =	vst v1  }
0x79: {  	s29 =	sshrl.u32 s0, $0x3;
	[tilespmem:s31+$0x20] =	vst v0  }
0x7a: {  	s0 =	sadd.s32 s4, s29;
	[tilespmem:s31+$0xFFFFFFC0] =	vst v2  }
0x7b: {  	[hbm4b:s0+s11] =	stream.strided.scatter [tilespmem:s21], [sflag:$0x2], $0x1000, s12, s11, $0x38;
	[tilespmem:$0x1E700] =	vst v63  }
0x7c: {  	s0 =	simm.s32 @!p0 $0x3  }
0x7d: {  	_ =	swait.ge @!p0 [sflag:s0], $0x1000  }
0x7e: {  	[sflag:s0] =	ssyncset.done @!p0 $0x0  }
0x7f: {  	s31 =	simm.s32 $0x19770;
	[sflag:s0] =	ssyncadd.s32 @!p0 $0xFFFFF000  }
0x80: {  	v0 =	vld [tilespmem:s31+$0x0]  }
0x81: {  	v1 =	vld [tilespmem:s31+$0xFFFFFFA0]  }
0x82: {  	v2 =	vld [tilespmem:s31+$0xFFFFFFB0]  }
0x83: {  	v3 =	vld [tilespmem:s31+$0xFFFFFFC0]  }
0x84: {  	v4 =	vld [tilespmem:s31+$0xFFFFFFD0]  }
0x85: {  	v6 =	vld [tilespmem:s31+$0xFFFFFFE0]  }
0x86: {  	v7 =	vld [tilespmem:s31+$0xFFFFFFF0]  }
0x87: {  	v8 =	vld [tilespmem:s31+$0xFFFFFF90]  }
0x88: {  	v9 =	vld.idx.msk [tilespmem:v0+s5+$0x0], $0xffff  }
0x89: {  	v10 =	vld.idx.msk [tilespmem:v1+s5+$0x0], $0xffff  }
0x8a: {  	v5 =	vld.idx.msk [tilespmem:v2+s5+$0x0], $0xffff  }
0x8b: {  	v3 =	vld.idx.msk [tilespmem:v3+s5+$0x0], $0xffff  }
0x8c: {  	v0 =	vld.idx.msk [tilespmem:v4+s5+$0x0], $0xffff  }
0x8d: {  	s30 =	simm.s32 $0x1D740;
	v1 =	vld.idx.msk [tilespmem:v6+s5+$0x0], $0xffff  }
0x8e: {  	v2 =	vld.idx.msk [tilespmem:v7+s5+$0x0], $0xffff;
	[tilespmem:s30+$0x30] =	vst v9  }
0x8f: {  	s3 =	simm.s32 $0x197F0;
	s0 =	simm.s32 $0x0;
	v4 =	vld.idx.msk [tilespmem:v8+s5+$0x0], $0xffff;
	[tilespmem:s30+$0xFFFFFFD0] =	vst v10  }
.LBB2_5:
0x90: {  	v6 =	vld [tilespmem:s3+$0x0];
	s0 =	sadd.s32 $0x8, s0;
	[tilespmem:s30+$0xFFFFFFE0] =	vst v5  }
0x91: {  	v5 =	vld [tilespmem:s3+$0xFFFFFFA0];
	p0 =	slt.u32 s0, $0xF8;
	[tilespmem:s30+$0xFFFFFFF0] =	vst v3  }
0x92: {  	v3 =	vld [tilespmem:s3+$0xFFFFFFB0];
	[tilespmem:s30+$0x0] =	vst v0  }
0x93: {  	v0 =	vld [tilespmem:s3+$0xFFFFFFC0];
	[tilespmem:s30+$0x10] =	vst v1  }
0x94: {  	v1 =	vld [tilespmem:s3+$0xFFFFFFD0];
	[tilespmem:s30+$0x20] =	vst v2  }
0x95: {  	v2 =	vld [tilespmem:s3+$0xFFFFFFE0];
	[tilespmem:s30+$0xFFFFFFC0] =	vst v4  }
0x96: {  	v4 =	vld [tilespmem:s3+$0xFFFFFFF0]  }
0x97: {  	v7 =	vld [tilespmem:s3+$0xFFFFFF90]  }
0x98: {  	v6 =	vld.idx.msk [tilespmem:v6+s5+$0x0], $0xffff  }
0x99: {  	v8 =	vld.idx.msk [tilespmem:v5+s5+$0x0], $0xffff  }
0x9a: {  	v5 =	vld.idx.msk [tilespmem:v3+s5+$0x0], $0xffff  }
.Ltmp1:
0x9b: {  	v3 =	vld.idx.msk [tilespmem:v0+s5+$0x0], $0xffff;
	(pc) =	sbr.rel @p0 .LBB2_5-.Ltmp1, $4  }
0x9c: {  	v0 =	vld.idx.msk [tilespmem:v1+s5+$0x0], $0xffff  }
0x9d: {  	s30 =	sadd.s32 $0x80, s30;
	v1 =	vld.idx.msk [tilespmem:v2+s5+$0x0], $0xffff  }
0x9e: {  	v2 =	vld.idx.msk [tilespmem:v4+s5+$0x0], $0xffff;
	[tilespmem:s30+$0x30] =	vst v6  }
0x9f: {  	s3 =	sadd.s32 $0x80, s3;
	v4 =	vld.idx.msk [tilespmem:v7+s5+$0x0], $0xffff;
	[tilespmem:s30+$0xFFFFFFD0] =	vst v8  }
0xa0: {  	[tilespmem:s30+$0xFFFFFFE0] =	vst v5  }
0xa1: {  	[tilespmem:s30+$0xFFFFFFF0] =	vst v3  }
0xa2: {  	[tilespmem:s30+$0x0] =	vst v0  }
0xa3: {  	[tilespmem:s30+$0x10] =	vst v1  }
0xa4: {  	[tilespmem:s30+$0x20] =	vst v2  }
0xa5: {  	s0 =	sadd.s32 s29, s7;
	[tilespmem:s30+$0xFFFFFFC0] =	vst v4  }
0xa6: {  	[hbm4b:s0+s11] =	stream.strided.scatter [tilespmem:s22], [sflag:$0x3], $0x1000, s12, s11, $0x38;
	[tilespmem:$0x1E700] =	vst v63  }
0xa7: {  	_ =	swait.ge [sflag:s23], $0x1000  }
0xa8: {  	[sflag:s23] =	ssyncset.done $0x0  }
0xa9: {  	s31 =	simm.s32 $0x1A770;
	[sflag:s23] =	ssyncadd.s32 $0xFFFFF000  }
0xaa: {  	v0 =	vld [tilespmem:s31+$0x0]  }
0xab: {  	v1 =	vld [tilespmem:s31+$0xFFFFFFA0]  }
0xac: {  	v2 =	vld [tilespmem:s31+$0xFFFFFFB0]  }
0xad: {  	v3 =	vld [tilespmem:s31+$0xFFFFFFC0]  }
0xae: {  	v4 =	vld [tilespmem:s31+$0xFFFFFFD0]  }
0xaf: {  	v6 =	vld [tilespmem:s31+$0xFFFFFFE0]  }
0xb0: {  	v7 =	vld [tilespmem:s31+$0xFFFFFFF0]  }
0xb1: {  	v8 =	vld [tilespmem:s31+$0xFFFFFF90]  }
0xb2: {  	v9 =	vld.idx.msk [tilespmem:v0+s5+$0x0], $0xffff  }
0xb3: {  	v10 =	vld.idx.msk [tilespmem:v1+s5+$0x0], $0xffff  }
0xb4: {  	v5 =	vld.idx.msk [tilespmem:v2+s5+$0x0], $0xffff  }
0xb5: {  	v3 =	vld.idx.msk [tilespmem:v3+s5+$0x0], $0xffff  }
0xb6: {  	v0 =	vld.idx.msk [tilespmem:v4+s5+$0x0], $0xffff  }
0xb7: {  	s30 =	simm.s32 $0x1C740;
	v1 =	vld.idx.msk [tilespmem:v6+s5+$0x0], $0xffff  }
0xb8: {  	v2 =	vld.idx.msk [tilespmem:v7+s5+$0x0], $0xffff;
	[tilespmem:s30+$0x30] =	vst v9  }
0xb9: {  	s3 =	simm.s32 $0x1A7F0;
	s0 =	simm.s32 $0x0;
	v4 =	vld.idx.msk [tilespmem:v8+s5+$0x0], $0xffff;
	[tilespmem:s30+$0xFFFFFFD0] =	vst v10  }
.LBB2_7:
0xba: {  	v6 =	vld [tilespmem:s3+$0x0];
	s0 =	sadd.s32 $0x8, s0;
	[tilespmem:s30+$0xFFFFFFE0] =	vst v5  }
0xbb: {  	v5 =	vld [tilespmem:s3+$0xFFFFFFA0];
	p0 =	slt.u32 s0, $0xF8;
	[tilespmem:s30+$0xFFFFFFF0] =	vst v3  }
0xbc: {  	v3 =	vld [tilespmem:s3+$0xFFFFFFB0];
	[tilespmem:s30+$0x0] =	vst v0  }
0xbd: {  	v0 =	vld [tilespmem:s3+$0xFFFFFFC0];
	[tilespmem:s30+$0x10] =	vst v1  }
0xbe: {  	v1 =	vld [tilespmem:s3+$0xFFFFFFD0];
	[tilespmem:s30+$0x20] =	vst v2  }
0xbf: {  	v2 =	vld [tilespmem:s3+$0xFFFFFFE0];
	[tilespmem:s30+$0xFFFFFFC0] =	vst v4  }
0xc0: {  	v4 =	vld [tilespmem:s3+$0xFFFFFFF0]  }
0xc1: {  	v7 =	vld [tilespmem:s3+$0xFFFFFF90]  }
0xc2: {  	v6 =	vld.idx.msk [tilespmem:v6+s5+$0x0], $0xffff  }
0xc3: {  	v8 =	vld.idx.msk [tilespmem:v5+s5+$0x0], $0xffff  }
0xc4: {  	v5 =	vld.idx.msk [tilespmem:v3+s5+$0x0], $0xffff  }
.Ltmp2:
0xc5: {  	v3 =	vld.idx.msk [tilespmem:v0+s5+$0x0], $0xffff;
	(pc) =	sbr.rel @p0 .LBB2_7-.Ltmp2, $4  }
0xc6: {  	v0 =	vld.idx.msk [tilespmem:v1+s5+$0x0], $0xffff  }
0xc7: {  	s30 =	sadd.s32 $0x80, s30;
	v1 =	vld.idx.msk [tilespmem:v2+s5+$0x0], $0xffff  }
0xc8: {  	v2 =	vld.idx.msk [tilespmem:v4+s5+$0x0], $0xffff;
	[tilespmem:s30+$0x30] =	vst v6  }
0xc9: {  	s3 =	sadd.s32 $0x80, s3;
	v4 =	vld.idx.msk [tilespmem:v7+s5+$0x0], $0xffff;
	[tilespmem:s30+$0xFFFFFFD0] =	vst v8  }
0xca: {  	[tilespmem:s30+$0xFFFFFFE0] =	vst v5  }
0xcb: {  	[tilespmem:s30+$0xFFFFFFF0] =	vst v3  }
0xcc: {  	[tilespmem:s30+$0x0] =	vst v0  }
0xcd: {  	[tilespmem:s30+$0x10] =	vst v1  }
0xce: {  	[tilespmem:s30+$0x20] =	vst v2  }
0xcf: {  	s0 =	sadd.s32 s29, s8;
	[tilespmem:s30+$0xFFFFFFC0] =	vst v4  }
0xd0: {  	[hbm4b:s0+s11] =	stream.strided.scatter [tilespmem:s21], [sflag:$0x2], $0x1000, s12, s11, $0x38;
	[tilespmem:$0x1E700] =	vst v63  }
0xd1: {  	_ =	swait.ge [sflag:s24], $0x1000  }
0xd2: {  	[sflag:s24] =	ssyncset.done $0x0  }
0xd3: {  	s31 =	simm.s32 $0x1B770;
	[sflag:s24] =	ssyncadd.s32 $0xFFFFF000  }
0xd4: {  	v0 =	vld [tilespmem:s31+$0x0]  }
0xd5: {  	v1 =	vld [tilespmem:s31+$0xFFFFFFA0]  }
0xd6: {  	v2 =	vld [tilespmem:s31+$0xFFFFFFB0]  }
0xd7: {  	v3 =	vld [tilespmem:s31+$0xFFFFFFC0]  }
0xd8: {  	v4 =	vld [tilespmem:s31+$0xFFFFFFD0]  }
0xd9: {  	v6 =	vld [tilespmem:s31+$0xFFFFFFE0]  }
0xda: {  	v7 =	vld [tilespmem:s31+$0xFFFFFFF0]  }
0xdb: {  	v8 =	vld [tilespmem:s31+$0xFFFFFF90]  }
0xdc: {  	v9 =	vld.idx.msk [tilespmem:v0+s5+$0x0], $0xffff  }
0xdd: {  	v10 =	vld.idx.msk [tilespmem:v1+s5+$0x0], $0xffff  }
0xde: {  	v5 =	vld.idx.msk [tilespmem:v2+s5+$0x0], $0xffff  }
0xdf: {  	v3 =	vld.idx.msk [tilespmem:v3+s5+$0x0], $0xffff  }
0xe0: {  	v0 =	vld.idx.msk [tilespmem:v4+s5+$0x0], $0xffff  }
0xe1: {  	s30 =	simm.s32 $0x1D740;
	v1 =	vld.idx.msk [tilespmem:v6+s5+$0x0], $0xffff  }
0xe2: {  	v2 =	vld.idx.msk [tilespmem:v7+s5+$0x0], $0xffff;
	[tilespmem:s30+$0x30] =	vst v9  }
0xe3: {  	s3 =	simm.s32 $0x1B7F0;
	s0 =	simm.s32 $0x0;
	v4 =	vld.idx.msk [tilespmem:v8+s5+$0x0], $0xffff;
	[tilespmem:s30+$0xFFFFFFD0] =	vst v10  }
.LBB2_9:
0xe4: {  	v6 =	vld [tilespmem:s3+$0x0];
	s0 =	sadd.s32 $0x8, s0;
	[tilespmem:s30+$0xFFFFFFE0] =	vst v5  }
0xe5: {  	v5 =	vld [tilespmem:s3+$0xFFFFFFA0];
	p0 =	slt.u32 s0, $0xF8;
	[tilespmem:s30+$0xFFFFFFF0] =	vst v3  }
0xe6: {  	v3 =	vld [tilespmem:s3+$0xFFFFFFB0];
	[tilespmem:s30+$0x0] =	vst v0  }
0xe7: {  	v0 =	vld [tilespmem:s3+$0xFFFFFFC0];
	[tilespmem:s30+$0x10] =	vst v1  }
0xe8: {  	v1 =	vld [tilespmem:s3+$0xFFFFFFD0];
	[tilespmem:s30+$0x20] =	vst v2  }
0xe9: {  	v2 =	vld [tilespmem:s3+$0xFFFFFFE0];
	[tilespmem:s30+$0xFFFFFFC0] =	vst v4  }
0xea: {  	v4 =	vld [tilespmem:s3+$0xFFFFFFF0]  }
0xeb: {  	v7 =	vld [tilespmem:s3+$0xFFFFFF90]  }
0xec: {  	v6 =	vld.idx.msk [tilespmem:v6+s5+$0x0], $0xffff  }
0xed: {  	v8 =	vld.idx.msk [tilespmem:v5+s5+$0x0], $0xffff  }
0xee: {  	v5 =	vld.idx.msk [tilespmem:v3+s5+$0x0], $0xffff  }
.Ltmp3:
0xef: {  	v3 =	vld.idx.msk [tilespmem:v0+s5+$0x0], $0xffff;
	(pc) =	sbr.rel @p0 .LBB2_9-.Ltmp3, $4  }
0xf0: {  	v0 =	vld.idx.msk [tilespmem:v1+s5+$0x0], $0xffff  }
0xf1: {  	s30 =	sadd.s32 $0x80, s30;
	v1 =	vld.idx.msk [tilespmem:v2+s5+$0x0], $0xffff  }
0xf2: {  	v2 =	vld.idx.msk [tilespmem:v4+s5+$0x0], $0xffff;
	[tilespmem:s30+$0x30] =	vst v6  }
0xf3: {  	s3 =	sadd.s32 $0x80, s3;
	v4 =	vld.idx.msk [tilespmem:v7+s5+$0x0], $0xffff;
	[tilespmem:s30+$0xFFFFFFD0] =	vst v8  }
0xf4: {  	[tilespmem:s30+$0xFFFFFFE0] =	vst v5;
	s26 =	sadd.s32 $0x1, s26  }
0xf5: {  	[tilespmem:s30+$0xFFFFFFF0] =	vst v3;
	p0 =	sne.s32 s26, $0xD  }
.Ltmp4:
0xf6: {  	[tilespmem:s30+$0x0] =	vst v0;
	(pc) =	sbr.rel @p0 .LBB2_2-.Ltmp4, $4  }
0xf7: {  	[tilespmem:s30+$0x10] =	vst v1  }
0xf8: {  	[tilespmem:s30+$0x20] =	vst v2  }
0xf9: {  	s0 =	sadd.s32 s29, s9;
	[tilespmem:s30+$0xFFFFFFC0] =	vst v4  }
0xfa: {  	[hbm4b:s0+s11] =	stream.strided.scatter [tilespmem:s22], [sflag:$0x3], $0x1000, s12, s11, $0x38;
	[tilespmem:$0x1E700] =	vst v63  }
0xfb: {  	_ =	swait.ge [sflag:s23], $0x1000  }
0xfc: {  	[sflag:s23] =	ssyncset.done $0x0  }
0xfd: {  	[sflag:s23] =	ssyncadd.s32 $0xFFFFF000  }
0xfe: {  	_ =	swait.ge [sflag:s24], $0x1000  }
0xff: {  	s25 =	sadd.s32 $0x1, s25;
	s0 =	rddreg [dreg:$0x4]  }
0x100: {  	p0 =	sne.s32 s25, s0  }
.Ltmp5:
0x101: {  	_ = 	snop;
	(pc) =	sbr.rel @p0 .LBB2_1-.Ltmp5, $3  }
0x102: {  	_ =	sdelay $0x1  }
0x103: {  	[sflag:s24] =	ssyncset.done $0x0  }
0x104: {  	[sflag:s24] =	ssyncadd.s32 $0xFFFFF000  }
0x105: {  	_ =	sfence.sel $0x180000  }
0x106: {  	[bflag:$0x0] =	sbarrier.arrive $0xFFFF  }
0x107: {  	_ =	strace $0x90000047  }
0x108: {  	s0 =	stileid.u32;
	[bflag:$0x2] =	sbarrier.arrive $0xFFFF  }
0x109: {  	p0 =	sne.s32 s0, $0x0;
	s0 =	rddreg [dreg:$0x3]  }
0x10a: {  	s0 =	sadd.s32 @!p0 $0x100000, s0  }
0x10b: {  	[sflag:s0] =	ssyncadd.tile.s32 @!p0 $0x1;
	_ =	shalt  }
.Lfunc_end2:
_tile_overlayer_lowered:
.L_overlay_start_2:
0x10c: {  	(tag) =	ssettag $0x2  }
0x10d: {  	s0 =	rddreg [dreg:$0x0];
	s2 =	stileid.u32  }
0x10e: {  	s1 =	rddreg [dreg:$0x1];
	p0 =	sne.s32 s2, $0x0  }
0x10f: {  	s3 =	rddreg [dreg:$0x2];
	[bflag:$0x3] =	sbarrier.arrive $0xFFFF;
	s2 =	simm.s32 @!p0 $0x1C04  }
0x110: {  	[timem:s3], [sflag:s2] =	dma.local @!p0 [hbm:s0], s1  }
0x111: {  	s0 =	simm.s32 @!p0 $0x4  }
0x112: {  	_ =	swait.ge @!p0 [sflag:s0], s1  }
0x113: {  	s1 =	ssub.s32 @!p0 $0x0, s1;
	[sflag:s0] =	ssyncset.done @!p0 $0x0  }
0x114: {  	[sflag:s0] =	ssyncadd.s32 @!p0 s1  }
0x115: {  	[bflag:$0x3] =	sbarrier.arrive $0xFFFF  }
0x116: {  	_ =	shalt  }

</sc_bundles>
